<compile_context>
chip_gen: v7x
topology: tpu7x:2x2x1
jax: 0.10.2.dev20260603
libtpu: 0.0.44.dev20260713+nightly
codegen_flags: <defaults>
</compile_context>

<pallas_src>
import functools

import jax
import jax.numpy as jnp
from jax import lax
from jax.experimental import pallas as pl
from jax.experimental.pallas import tpu as pltpu
from jax.experimental.pallas import tpu_sc as plsc

N = 10000
E = 320000
D = 128
C = 10
G = 64

NC = 2
NS = 16
NW = NC * NS
LANES = 16

EPW = E // NW
EPAD = 240
EPW2 = EPW + EPAD
CH = 128
NCH = EPW2 // CH
ACC_ROWS = 10240
RPT = 624
RPT_LAST = N - RPT * (NS - 1)

DR = 640
DegRPT = DR // NS
DCH = 2000
NDCH = EPW // DCH

BT = 1000
NBT = N // BT

_HI = lax.Precision.HIGHEST
_SC_PARAMS = pltpu.CompilerParams(needs_layout_passes=False)


def _sc_degree(dst, zdeg):
    mesh = plsc.VectorSubcoreMesh(core_axis_name="c", subcore_axis_name="s")

    @functools.partial(
        pl.kernel,
        out_type=jax.ShapeDtypeStruct((NC, NS, DR, LANES), jnp.float32),
        mesh=mesh,
        scratch_types=[
            pltpu.VMEM((DCH,), jnp.int32),
            pltpu.VMEM((DR, LANES), jnp.float32),
        ],
        compiler_params=_SC_PARAMS,
    )
    def deg_kernel(dst_hbm, zdeg_hbm, out_hbm, dstv, degv):
        c = lax.axis_index("c")
        s = lax.axis_index("s")
        wid = s * NC + c
        pltpu.sync_copy(zdeg_hbm, degv)

        pos = lax.iota(jnp.int32, LANES)
        prev_i = jnp.maximum(pos - 1, 0)
        next_i = jnp.minimum(pos + 1, LANES - 1)
        base = wid * EPW

        @pl.loop(0, NDCH)
        def _chunks(chk):
            pltpu.sync_copy(dst_hbm.at[pl.ds(base + chk * DCH, DCH)], dstv)

            @pl.loop(0, DCH // LANES)
            def _vecs(j):
                d = dstv[pl.ds(j * LANES, LANES)]
                dsrt, _ = plsc.sort_key_val(d, d)
                dp = dsrt.at[prev_i].get(mode="promise_in_bounds")
                dn = dsrt.at[next_i].get(mode="promise_in_bounds")
                first = (pos == 0) | (dsrt != dp)
                last = (pos == LANES - 1) | (dsrt != dn)
                firstpos = plsc.cummax(jnp.where(first, pos, 0))
                cnt = (pos - firstpos + 1).astype(jnp.float32)
                plsc.addupdate_scatter(
                    degv,
                    [lax.shift_right_logical(dsrt, 4), lax.bitwise_and(dsrt, 15)],
                    cnt,
                    mask=last,
                )

        pltpu.sync_copy(degv, out_hbm.at[c].at[s])

    return deg_kernel(dst, zdeg)


def _sc_aggregate(table, src, dst, zrows):
    mesh = plsc.VectorSubcoreMesh(core_axis_name="c", subcore_axis_name="s")

    @functools.partial(
        pl.kernel,
        out_type=jax.ShapeDtypeStruct((NC, N, D), jnp.float32),
        mesh=mesh,
        scratch_types=(
            [pltpu.VMEM((CH,), jnp.int32)] * 4
            + [pltpu.VMEM((CH,), jnp.int32)] * 4
            + [pltpu.VMEM((CH, D), jnp.float32)] * 2
            + [pltpu.SemaphoreType.DMA] * 12
            + [pltpu.VMEM_SHARED((ACC_ROWS, D), jnp.float32)]
        ),
    )
    def agg_kernel(table_hbm, src_hbm, dst_hbm, z_hbm, out_hbm,
                   sv0, sv1, sv2, sv3, dv0, dv1, dv2, dv3,
                   rows0, rows1,
                   is0, is1, is2, is3, js0, js1, js2, js3,
                   gsem0, gsem1, ssem0, ssem1, acc):
        c = lax.axis_index("c")
        s = lax.axis_index("s")
        wid = s * NC + c
        svs = (sv0, sv1, sv2, sv3)
        dvs = (dv0, dv1, dv2, dv3)
        isems = (is0, is1, is2, is3)
        jsems = (js0, js1, js2, js3)
        rows = (rows0, rows1)
        gsems = (gsem0, gsem1)
        ssems = (ssem0, ssem1)

        @pl.when(s < NS - 1)
        def _():
            pltpu.sync_copy(z_hbm.at[pl.ds(0, RPT)], acc.at[pl.ds(s * RPT, RPT)])

        @pl.when(s == NS - 1)
        def _():
            pltpu.sync_copy(z_hbm, acc.at[pl.ds((NS - 1) * RPT, RPT_LAST)])

        plsc.subcore_barrier()

        base = wid * EPW2

        def issue_idx(chunk, slot):
            off = base + chunk * CH
            pltpu.async_copy(src_hbm.at[pl.ds(off, CH)], svs[slot], isems[slot])
            pltpu.async_copy(dst_hbm.at[pl.ds(off, CH)], dvs[slot], jsems[slot])

        issue_idx(0, 0)
        issue_idx(1, 1)
        issue_idx(2, 2)
        pltpu.make_async_copy(src_hbm.at[pl.ds(0, CH)], sv0, is0).wait()
        pltpu.make_async_copy(dst_hbm.at[pl.ds(0, CH)], dv0, js0).wait()
        pltpu.async_copy(table_hbm.at[sv0], rows0, gsem0)

        @pl.loop(0, NCH, step=4)
        def _grp(k):
            for u in range(4):
                rb, rb1 = u % 2, (u + 1) % 2
                s4, s41, s43 = u, (u + 1) % 4, (u + 3) % 4

                pltpu.make_async_copy(table_hbm.at[svs[s4]],
                                      rows[rb], gsems[rb]).wait()
                pltpu.async_copy(rows[rb], acc.at[dvs[s4]], ssems[rb],
                                 add=True)

                def next_stage(s41=s41, s43=s43, rb1=rb1, u=u):
                    pltpu.make_async_copy(src_hbm.at[pl.ds(0, CH)],
                                          svs[s41], isems[s41]).wait()
                    pltpu.make_async_copy(dst_hbm.at[pl.ds(0, CH)],
                                          dvs[s41], jsems[s41]).wait()

                    def wait_prev(bb=rb1):
                        pltpu.make_async_copy(rows[bb], acc.at[dvs[bb]],
                                              ssems[bb]).wait()
                    if u == 0:
                        pl.when(k > 0)(wait_prev)
                    else:
                        wait_prev()

                    pltpu.async_copy(table_hbm.at[svs[s41]], rows[rb1],
                                     gsems[rb1])

                    def prefetch(ch=k + u + 3, slot=s43):
                        issue_idx(ch, slot)
                    if u == 0:
                        prefetch()
                    else:
                        pl.when(k < NCH - 4)(prefetch)

                if u < 3:
                    next_stage()
                else:
                    pl.when(k < NCH - 4)(next_stage)

        pltpu.make_async_copy(rows0, acc.at[dv2], ssem0).wait()
        pltpu.make_async_copy(rows1, acc.at[dv3], ssem1).wait()
        plsc.subcore_barrier()

        @pl.when(s < NS - 1)
        def _():
            pltpu.sync_copy(acc.at[pl.ds(s * RPT, RPT)],
                            out_hbm.at[c].at[pl.ds(s * RPT, RPT)])

        @pl.when(s == NS - 1)
        def _():
            pltpu.sync_copy(acc.at[pl.ds((NS - 1) * RPT, RPT_LAST)],
                            out_hbm.at[c].at[pl.ds((NS - 1) * RPT, RPT_LAST)])

    return agg_kernel(table, src, dst, zrows)


def _deg_factors(deg_ref):
    deg = jnp.sum(deg_ref[...], axis=1, keepdims=True) + 1.0
    dis = lax.rsqrt(deg)
    return dis, 1.0 / deg


def _tc_layer_in(x, degT, W, b2d):

    def body(x_ref, deg_ref, w_ref, b_ref, xws_ref, self_ref):
        dis, inv = _deg_factors(deg_ref)
        xw = jnp.dot(x_ref[...], w_ref[...],
                     preferred_element_type=jnp.float32, precision=_HI)
        xws_ref[...] = xw * dis
        self_ref[...] = xw * inv + b_ref[...]

    return pl.pallas_call(
        body,
        grid=(NBT,),
        in_specs=[
            pl.BlockSpec((BT, D), lambda i: (i, 0)),
            pl.BlockSpec((BT, NW), lambda i: (i, 0)),
            pl.BlockSpec((D, D), lambda i: (0, 0)),
            pl.BlockSpec((1, D), lambda i: (0, 0)),
        ],
        out_specs=[pl.BlockSpec((BT, D), lambda i: (i, 0)),
                   pl.BlockSpec((BT, D), lambda i: (i, 0))],
        out_shape=[jax.ShapeDtypeStruct((N, D), jnp.float32)] * 2,
    )(x, degT, W, b2d)


def _tc_layer_mid(p, degT, selfp, W, b2d):

    def body(p_ref, deg_ref, sp_ref, w_ref, b_ref, xws_ref, self_ref):
        dis, inv = _deg_factors(deg_ref)
        h = jnp.maximum((p_ref[0] + p_ref[1]) * dis + sp_ref[...], 0.0)
        xw = jnp.dot(h, w_ref[...],
                     preferred_element_type=jnp.float32, precision=_HI)
        xws_ref[...] = xw * dis
        self_ref[...] = xw * inv + b_ref[...]

    return pl.pallas_call(
        body,
        grid=(NBT,),
        in_specs=[
            pl.BlockSpec((NC, BT, D), lambda i: (0, i, 0)),
            pl.BlockSpec((BT, NW), lambda i: (i, 0)),
            pl.BlockSpec((BT, D), lambda i: (i, 0)),
            pl.BlockSpec((D, D), lambda i: (0, 0)),
            pl.BlockSpec((1, D), lambda i: (0, 0)),
        ],
        out_specs=[pl.BlockSpec((BT, D), lambda i: (i, 0)),
                   pl.BlockSpec((BT, D), lambda i: (i, 0))],
        out_shape=[jax.ShapeDtypeStruct((N, D), jnp.float32)] * 2,
    )(p, degT, selfp, W, b2d)


def _tc_final(q, degT, selfp, Wt, bt, Wh, bh, batch3):

    def body(q_ref, deg_ref, sp_ref, wt_ref, bt_ref, wh_ref, bh_ref, b_ref,
             h_ref, th_ref, hc_ref, lsm_ref, pooled):
        i = pl.program_id(0)
        dis, _ = _deg_factors(deg_ref)
        h2 = (q_ref[0] + q_ref[1]) * dis + sp_ref[...]
        h_ref[...] = h2
        theta = jnp.dot(h2, wt_ref[...],
                        preferred_element_type=jnp.float32, precision=_HI) + bt_ref[...]
        hc = jnp.dot(h2, wh_ref[...],
                     preferred_element_type=jnp.float32, precision=_HI) + bh_ref[...]
        th_ref[...] = theta[:, :C]
        hc_ref[...] = hc[:, :C]
        prod = theta * hc
        bb = b_ref[0]
        gi = lax.broadcasted_iota(jnp.int32, (G, BT), 0)
        oh = (gi == bb).astype(jnp.float32)
        part = jnp.dot(oh, prod, preferred_element_type=jnp.float32, precision=_HI)

        @pl.when(i == 0)
        def _():
            pooled[...] = jnp.zeros((G, D), jnp.float32)

        pooled[...] += part
        z = pooled[...]
        col = lax.broadcasted_iota(jnp.int32, (G, D), 1)
        zm = jnp.where(col < C, z, -jnp.inf)
        m = jnp.max(zm, axis=1, keepdims=True)
        ssum = jnp.sum(jnp.exp(zm - m), axis=1, keepdims=True)
        lsm_ref[...] = (z - m - jnp.log(ssum))[:, :C]

    return pl.pallas_call(
        body,
        grid=(NBT,),
        in_specs=[
            pl.BlockSpec((NC, BT, D), lambda i: (0, i, 0)),
            pl.BlockSpec((BT, NW), lambda i: (i, 0)),
            pl.BlockSpec((BT, D), lambda i: (i, 0)),
            pl.BlockSpec((D, D), lambda i: (0, 0)),
            pl.BlockSpec((1, D), lambda i: (0, 0)),
            pl.BlockSpec((D, D), lambda i: (0, 0)),
            pl.BlockSpec((1, D), lambda i: (0, 0)),
            pl.BlockSpec((1, 1, BT), lambda i: (i, 0, 0)),
        ],
        out_specs=[
            pl.BlockSpec((BT, D), lambda i: (i, 0)),
            pl.BlockSpec((BT, C), lambda i: (i, 0)),
            pl.BlockSpec((BT, C), lambda i: (i, 0)),
            pl.BlockSpec((G, C), lambda i: (0, 0)),
        ],
        out_shape=[
            jax.ShapeDtypeStruct((N, D), jnp.float32),
            jax.ShapeDtypeStruct((N, C), jnp.float32),
            jax.ShapeDtypeStruct((N, C), jnp.float32),
            jax.ShapeDtypeStruct((G, C), jnp.float32),
        ],
        scratch_shapes=[pltpu.VMEM((G, D), jnp.float32)],
    )(q, degT, selfp, Wt, bt, Wh, bh, batch3)


def kernel(x, edge_index, batch, W1, b1, W2, b2, W_theta, b_theta, W_h, b_h):
    f32 = jnp.float32
    src = edge_index[0].astype(jnp.int32)
    dst = edge_index[1].astype(jnp.int32)
    zdeg = jnp.zeros((DR, LANES), f32)
    zrows = jnp.zeros((RPT_LAST, D), f32)

    deg2 = _sc_degree(dst, zdeg)
    degT = deg2.reshape(NW, DR * LANES)[:, :N].T

    pad_src = jnp.broadcast_to(jnp.arange(EPAD, dtype=jnp.int32)[None, :],
                               (NW, EPAD))
    pad_dst = jnp.broadcast_to((N + jnp.arange(EPAD, dtype=jnp.int32))[None, :],
                               (NW, EPAD))
    src_p = jnp.concatenate([src.reshape(NW, EPW), pad_src], axis=1).reshape(-1)
    dst_p = jnp.concatenate([dst.reshape(NW, EPW), pad_dst], axis=1).reshape(-1)

    xws1, self1 = _tc_layer_in(x, degT, W1, b1.reshape(1, D))
    p = _sc_aggregate(xws1, src_p, dst_p, zrows)
    xws2, self2 = _tc_layer_mid(p, degT, self1, W2, b2.reshape(1, D))
    q = _sc_aggregate(xws2, src_p, dst_p, zrows)

    Wt = jnp.zeros((D, D), f32).at[:, :C].set(W_theta)
    Wh = jnp.zeros((D, D), f32).at[:, :C].set(W_h)
    bt = jnp.zeros((1, D), f32).at[0, :C].set(b_theta)
    bh = jnp.zeros((1, D), f32).at[0, :C].set(b_h)
    batch3 = batch.astype(jnp.int32).reshape(NBT, 1, BT)

    h, theta, hc, lsm = _tc_final(q, degT, self2, Wt, bt, Wh, bh, batch3)
    return lsm, h, theta, hc

# --- scband reference (transcript-rebuilt; emitter-appended) ---
"""Pipeline reference for scband-graph-senn-35081292874283 (READ-ONLY COPY).

The authoritative reference and input builder live on the scoring server;
editing this copy changes nothing except your own understanding.
"""

import jax, jax.numpy as jnp
import numpy as np

N = 10000   # n_nodes
E = 320000  # n_edges
D = 128     # d_feat / hidden
C = 10      # output_dim (num classes / concepts)
G = 64      # num graphs in batch


def setup_inputs(seed: int = 0) -> dict:
    key = jax.random.key(seed)
    ks = jax.random.split(key, 12)
    x = jax.random.normal(ks[0], (N, D), dtype=jnp.float32)
    edge_index = jax.random.randint(ks[1], (2, E), 0, N)
    batch = jnp.sort(jax.random.randint(ks[2], (N,), 0, G))
    # GCN layer 1 and 2 weights (in_channels=128 -> out_channels=128)
    W1 = jax.random.normal(ks[3], (D, D), dtype=jnp.float32) * 0.05
    b1 = jnp.zeros((D,), dtype=jnp.float32)
    W2 = jax.random.normal(ks[4], (D, D), dtype=jnp.float32) * 0.05
    b2 = jnp.zeros((D,), dtype=jnp.float32)
    # SENN pooling layer params: theta-net and concept-net (per-node, per-class)
    W_theta = jax.random.normal(ks[5], (D, C), dtype=jnp.float32) * 0.05
    b_theta = jnp.zeros((C,), dtype=jnp.float32)
    W_h = jax.random.normal(ks[6], (D, C), dtype=jnp.float32) * 0.05
    b_h = jnp.zeros((C,), dtype=jnp.float32)
    return {"x": x, "edge_index": edge_index, "batch": batch,
            "W1": W1, "b1": b1, "W2": W2, "b2": b2,
            "W_theta": W_theta, "b_theta": b_theta, "W_h": W_h, "b_h": b_h}


def _gcn_conv(x, src, dst, W, b, num_nodes):
    # GCNConv with added self-loops and symmetric normalization
    loop = jnp.arange(num_nodes)
    s = jnp.concatenate([src, loop])
    d = jnp.concatenate([dst, loop])
    deg = jax.ops.segment_sum(jnp.ones(s.shape[0], dtype=x.dtype), d, num_segments=num_nodes)
    dis = deg ** -0.5
    norm = dis[s] * dis[d]
    xw = x @ W
    msg = jnp.take(xw, s, axis=0) * norm[:, None]   # gather (SparseCore)
    out = jax.ops.segment_sum(msg, d, num_segments=num_nodes)  # scatter-add
    return out + b


def reference(x, edge_index, batch, W1, b1, W2, b2, W_theta, b_theta, W_h, b_h):
    src, dst = edge_index[0], edge_index[1]
    # gnn_part: GCNConv -> ReLU -> GCNConv
    h = _gcn_conv(x, src, dst, W1, b1, N)
    h = jax.nn.relu(h)
    h = _gcn_conv(h, src, dst, W2, b2, N)
    # SENN pooling: theta (per-node relevance), concepts, aggregate per graph
    theta = h @ W_theta + b_theta          # [N, C]
    hc = h @ W_h + b_h                     # [N, C]
    x_out = jax.ops.segment_sum(theta * hc, batch, num_segments=G)  # [G, C]
    return (jax.nn.log_softmax(x_out, axis=-1), h, theta, hc)

if __name__ == "__main__":
    import jax
    _d = setup_inputs()
    print(jax.jit(kernel)(*tuple(_d.values())))

</pallas_src>

<mosaic_0001>
#map = affine_map<(d0, d1) -> (0)>
#map1 = affine_map<(d0, d1) -> (0, 0)>
#map2 = affine_map<(d0, d1) -> (0, 0, 0, 0)>
module attributes {stable_mosaic.version = 14 : i64} {
  func.func @deg_kernel(%arg0: i32, %arg1: i32, %arg2: memref<320000xi32, #tpu.memory_space<hbm>>, %arg3: memref<640x16xf32, #tpu.memory_space<hbm>>, %arg4: memref<2x16x640x16xf32, #tpu.memory_space<hbm>>, %arg5: memref<2000xi32, #tpu.memory_space<vmem>>, %arg6: memref<640x16xf32, #tpu.memory_space<vmem>>) attributes {dimension_semantics = [#tpu.dimension_semantics<core_parallel>, #tpu.dimension_semantics<subcore_parallel>], iteration_bounds = array<i64: 2, 16>, scalar_prefetch = 0 : i64, scratch_operands = 2 : i64, tpu.core_type = #tpu.core_type<sc_vector_subcore>, window_params = [{transform_indices = #map}, {transform_indices = #map1}, {transform_indices = #map2}]} {
    %mul3A = arith.constant 2 : i32
    %mul3A_0 = arith.muli %arg1, %mul3A : i32
    %add3A = arith.addi %mul3A_0, %arg0 : i32
    "tpu.region"() ({
      %run_scoped3A = tpu.sem_alloc : memref<!tpu.dma_semaphore, #tpu.memory_space<semaphore_mem>>
      tpu.enqueue_dma source(%arg3 : memref<640x16xf32, #tpu.memory_space<hbm>>) target(%arg6 : memref<640x16xf32, #tpu.memory_space<vmem>>) target_semaphore(%run_scoped3A : memref<!tpu.dma_semaphore, #tpu.memory_space<semaphore_mem>>)
      tpu.wait_dma2 semaphore(%run_scoped3A : memref<!tpu.dma_semaphore, #tpu.memory_space<semaphore_mem>>) src(%arg3 : memref<640x16xf32, #tpu.memory_space<hbm>>) dst(%arg6 : memref<640x16xf32, #tpu.memory_space<vmem>>)
      tpu.yield
    }) : () -> ()
    %iota3A = tpu.iota {dimensions = array<i32: 0>} : vector<16xi32>
    %sub3A = arith.constant 1 : i32
    %sub3A_1 = vector.broadcast %sub3A : i32 to vector<16xi32>
    %sub3A_2 = arith.subi %iota3A, %sub3A_1 : vector<16xi32>
    %max3A = arith.constant 0 : i32
    %max3A_3 = vector.broadcast %max3A : i32 to vector<16xi32>
    %max3A_4 = arith.maxsi %sub3A_2, %max3A_3 : vector<16xi32>
    %add3A_5 = arith.constant 1 : i32
    %add3A_6 = vector.broadcast %add3A_5 : i32 to vector<16xi32>
    %add3A_7 = arith.addi %iota3A, %add3A_6 : vector<16xi32>
    %min3A = arith.constant 15 : i32
    %min3A_8 = vector.broadcast %min3A : i32 to vector<16xi32>
    %min3A_9 = arith.minsi %add3A_7, %min3A_8 : vector<16xi32>
    %mul3A_10 = arith.constant 10000 : i32
    %mul3A_11 = arith.muli %add3A, %mul3A_10 : i32
    %scan3A = arith.constant 0 : i32
    %scan3A_12 = arith.constant 5 : i32
    %scan3A_13 = arith.addi %scan3A, %scan3A_12 : i32
    %scan3A_14 = arith.constant 1 : i32
    scf.for %scan3A_16 = %scan3A to %scan3A_13 step %scan3A_14  : i32 {
      %mul3A_17 = arith.constant 1 : i32
      %mul3A_18 = arith.muli %scan3A_16, %mul3A_17 : i32
      %add3A_19 = arith.constant 0 : i32
      %add3A_20 = arith.addi %add3A_19, %mul3A_18 : i32
      %mul3A_21 = arith.constant 2000 : i32
      %mul3A_22 = arith.muli %add3A_20, %mul3A_21 : i32
      %add3A_23 = arith.addi %mul3A_11, %mul3A_22 : i32
      "tpu.region"() ({
        %run_scoped3A = tpu.sem_alloc : memref<!tpu.dma_semaphore, #tpu.memory_space<semaphore_mem>>
        %dma_start3A = tpu.memref_slice %arg2[%add3A_23] : memref<320000xi32, #tpu.memory_space<hbm>> -> memref<2000xi32, #tpu.memory_space<hbm>>
        %dma_start3A_29 = tpu.memref_slice %arg2[%add3A_23] : memref<320000xi32, #tpu.memory_space<hbm>> -> memref<2000xi32, #tpu.memory_space<hbm>>
        tpu.enqueue_dma source(%dma_start3A_29 : memref<2000xi32, #tpu.memory_space<hbm>>) target(%arg5 : memref<2000xi32, #tpu.memory_space<vmem>>) target_semaphore(%run_scoped3A : memref<!tpu.dma_semaphore, #tpu.memory_space<semaphore_mem>>)
        %dma_wait3A = tpu.memref_slice %arg2[%add3A_23] : memref<320000xi32, #tpu.memory_space<hbm>> -> memref<2000xi32, #tpu.memory_space<hbm>>
        %dma_wait3A_30 = tpu.memref_slice %arg2[%add3A_23] : memref<320000xi32, #tpu.memory_space<hbm>> -> memref<2000xi32, #tpu.memory_space<hbm>>
        tpu.wait_dma2 semaphore(%run_scoped3A : memref<!tpu.dma_semaphore, #tpu.memory_space<semaphore_mem>>) src(%dma_wait3A_30 : memref<2000xi32, #tpu.memory_space<hbm>>) dst(%arg5 : memref<2000xi32, #tpu.memory_space<vmem>>)
        tpu.yield
      }) : () -> ()
      %scan3A_24 = arith.constant 0 : i32
      %scan3A_25 = arith.constant 125 : i32
      %scan3A_26 = arith.addi %scan3A_24, %scan3A_25 : i32
      %scan3A_27 = arith.constant 1 : i32
      scf.for %scan3A_29 = %scan3A_24 to %scan3A_26 step %scan3A_27  : i32 {
        %mul3A_30 = arith.constant 1 : i32
        %mul3A_31 = arith.muli %scan3A_29, %mul3A_30 : i32
        %add3A_32 = arith.constant 0 : i32
        %add3A_33 = arith.addi %add3A_32, %mul3A_31 : i32
        %mul3A_34 = arith.constant 16 : i32
        %mul3A_35 = arith.muli %add3A_33, %mul3A_34 : i32
        %get3A = arith.index_cast %mul3A_35 : i32 to index
        %get3A_36 = tpu.vector_load %arg5[%get3A] {strides = array<i32>} : memref<2000xi32, #tpu.memory_space<vmem>>, vector<16xi32>,
        %masked_sort3A = arith.constant dense<true> : vector<16xi1>
        %masked_sort3A_37 = arith.constant -2147483648 : i32
        %masked_sort3A_38 = vector.broadcast %masked_sort3A_37 : i32 to vector<16xi32>
        %masked_sort3A_39 = arith.xori %get3A_36, %masked_sort3A_38 : vector<16xi32>
        %masked_sort3A_40, %masked_sort3A_41, %masked_sort3A_42 = tpu.sort %masked_sort3A_39, %get3A_36 masked %masked_sort3A : (vector<16xi32>, vector<16xi32>, vector<16xi1>) -> (vector<16xi1>, vector<16xi32>, vector<16xi32>)
        %masked_sort3A_43 = arith.xori %masked_sort3A_41, %masked_sort3A_38 : vector<16xi32>
        %lt3A = arith.constant 0 : i32
        %lt3A_44 = vector.broadcast %lt3A : i32 to vector<16xi32>
        %lt3A_45 = arith.cmpi slt, %max3A_4, %lt3A_44 : vector<16xi32>
        %add3A_46 = arith.constant 16 : i32
        %add3A_47 = vector.broadcast %add3A_46 : i32 to vector<16xi32>
        %add3A_48 = arith.addi %max3A_4, %add3A_47 : vector<16xi32>
        %select_n3A = arith.select %lt3A_45, %add3A_48, %max3A_4 : vector<16xi1>, vector<16xi32>
        %broadcast_in_dim3A = vector.shape_cast %select_n3A : vector<16xi32> to vector<16x1xi32>
        %gather3A = vector.shape_cast %broadcast_in_dim3A : vector<16x1xi32> to vector<16xi32>
        %gather3A_49 = tpu.dynamic_gather %masked_sort3A_43[%gather3A] in [0] : vector<16xi32>, vector<16xi32> -> vector<16xi32>
        %lt3A_50 = arith.constant 0 : i32
        %lt3A_51 = vector.broadcast %lt3A_50 : i32 to vector<16xi32>
        %lt3A_52 = arith.cmpi slt, %min3A_9, %lt3A_51 : vector<16xi32>
        %add3A_53 = arith.constant 16 : i32
        %add3A_54 = vector.broadcast %add3A_53 : i32 to vector<16xi32>
        %add3A_55 = arith.addi %min3A_9, %add3A_54 : vector<16xi32>
        %select_n3A_56 = arith.select %lt3A_52, %add3A_55, %min3A_9 : vector<16xi1>, vector<16xi32>
        %broadcast_in_dim3A_57 = vector.shape_cast %select_n3A_56 : vector<16xi32> to vector<16x1xi32>
        %gather3A_58 = vector.shape_cast %broadcast_in_dim3A_57 : vector<16x1xi32> to vector<16xi32>
        %gather3A_59 = tpu.dynamic_gather %masked_sort3A_43[%gather3A_58] in [0] : vector<16xi32>, vector<16xi32> -> vector<16xi32>
        %eq3A = arith.constant 0 : i32
        %eq3A_60 = vector.broadcast %eq3A : i32 to vector<16xi32>
        %eq3A_61 = arith.cmpi eq, %iota3A, %eq3A_60 : vector<16xi32>
        %ne3A = arith.cmpi ne, %masked_sort3A_43, %gather3A_49 : vector<16xi32>
        %or3A = arith.ori %eq3A_61, %ne3A : vector<16xi1>
        %eq3A_62 = arith.constant 15 : i32
        %eq3A_63 = vector.broadcast %eq3A_62 : i32 to vector<16xi32>
        %eq3A_64 = arith.cmpi eq, %iota3A, %eq3A_63 : vector<16xi32>
        %ne3A_65 = arith.cmpi ne, %masked_sort3A_43, %gather3A_59 : vector<16xi32>
        %or3A_66 = arith.ori %eq3A_64, %ne3A_65 : vector<16xi1>
        %jit3A = arith.constant 0 : i32
        %broadcast_in_dim3A_67 = vector.broadcast %jit3A : i32 to vector<16xi32>
        %select_n3A_68 = arith.select %or3A, %iota3A, %broadcast_in_dim3A_67 : vector<16xi1>, vector<16xi32>
        %broadcast_in_dim3A_69 = arith.constant true
        %broadcast_in_dim3A_70 = vector.broadcast %broadcast_in_dim3A_69 : i1 to vector<16xi1>
        %masked_cummax3A = arith.constant -2147483648 : i32
        %masked_cummax3A_71 = vector.broadcast %masked_cummax3A : i32 to vector<16xi32>
        %masked_cummax3A_72 = arith.xori %select_n3A_68, %masked_cummax3A_71 : vector<16xi32>
        %masked_cummax3A_73 = tpu.scan <max>, %masked_cummax3A_72 masked %broadcast_in_dim3A_70 : vector<16xi32>, vector<16xi1> -> vector<16xi32>
        %masked_cummax3A_74 = arith.xori %masked_cummax3A_73, %masked_cummax3A_71 : vector<16xi32>
        %sub3A_75 = arith.subi %iota3A, %masked_cummax3A_74 : vector<16xi32>
        %add3A_76 = arith.constant 1 : i32
        %add3A_77 = vector.broadcast %add3A_76 : i32 to vector<16xi32>
        %add3A_78 = arith.addi %sub3A_75, %add3A_77 : vector<16xi32>
        %convert_element_type3A = arith.sitofp %add3A_78 : vector<16xi32> to vector<16xf32>
        %shift_right_logical3A = arith.constant 4 : i32
        %shift_right_logical3A_79 = vector.broadcast %shift_right_logical3A : i32 to vector<16xi32>
        %shift_right_logical3A_80 = arith.shrui %masked_sort3A_43, %shift_right_logical3A_79 : vector<16xi32>
        %and3A = arith.constant 15 : i32
        %and3A_81 = vector.broadcast %and3A : i32 to vector<16xi32>
        %and3A_82 = arith.andi %masked_sort3A_43, %and3A_81 : vector<16xi32>
        tpu.vector_store_idx %arg6[%shift_right_logical3A_80, %and3A_82], %convert_element_type3A masked %or3A_66 {add = true} : memref<640x16xf32, #tpu.memory_space<vmem>>[vector<16xi32>, vector<16xi32>], vector<16xf32>, vector<16xi1>
      }
      %scan3A_28 = arith.constant 125 : i32
    }
    %scan3A_15 = arith.constant 5 : i32
    "tpu.region"() ({
      %run_scoped3A = tpu.sem_alloc : memref<!tpu.dma_semaphore, #tpu.memory_space<semaphore_mem>>
      %dma_start3A = arith.constant 0 : i32
      %dma_start3A_16 = arith.constant 0 : i32
      %dma_start3A_17 = arith.constant 0 : i32
      %dma_start3A_18 = tpu.memref_slice %arg4[%arg0, %dma_start3A, %dma_start3A_16, %dma_start3A_17] : memref<2x16x640x16xf32, #tpu.memory_space<hbm>> -> memref<1x16x640x16xf32, #tpu.memory_space<hbm>>
      %dma_start3A_19 = tpu.memref_squeeze %dma_start3A_18 : memref<1x16x640x16xf32, #tpu.memory_space<hbm>> -> memref<16x640x16xf32, #tpu.memory_space<hbm>>
      %dma_start3A_20 = arith.constant 0 : i32
      %dma_start3A_21 = arith.constant 0 : i32
      %dma_start3A_22 = tpu.memref_slice %dma_start3A_19[%arg1, %dma_start3A_20, %dma_start3A_21] : memref<16x640x16xf32, #tpu.memory_space<hbm>> -> memref<1x640x16xf32, #tpu.memory_space<hbm>>
      %dma_start3A_23 = tpu.memref_squeeze %dma_start3A_22 : memref<1x640x16xf32, #tpu.memory_space<hbm>> -> memref<640x16xf32, #tpu.memory_space<hbm>>
      %dma_start3A_24 = arith.constant 0 : i32
      %dma_start3A_25 = arith.constant 0 : i32
      %dma_start3A_26 = arith.constant 0 : i32
      %dma_start3A_27 = tpu.memref_slice %arg4[%arg0, %dma_start3A_24, %dma_start3A_25, %dma_start3A_26] : memref<2x16x640x16xf32, #tpu.memory_space<hbm>> -> memref<1x16x640x16xf32, #tpu.memory_space<hbm>>
      %dma_start3A_28 = tpu.memref_squeeze %dma_start3A_27 : memref<1x16x640x16xf32, #tpu.memory_space<hbm>> -> memref<16x640x16xf32, #tpu.memory_space<hbm>>
      %dma_start3A_29 = arith.constant 0 : i32
      %dma_start3A_30 = arith.constant 0 : i32
      %dma_start3A_31 = tpu.memref_slice %dma_start3A_28[%arg1, %dma_start3A_29, %dma_start3A_30] : memref<16x640x16xf32, #tpu.memory_space<hbm>> -> memref<1x640x16xf32, #tpu.memory_space<hbm>>
      %dma_start3A_32 = tpu.memref_squeeze %dma_start3A_31 : memref<1x640x16xf32, #tpu.memory_space<hbm>> -> memref<640x16xf32, #tpu.memory_space<hbm>>
      tpu.enqueue_dma source(%arg6 : memref<640x16xf32, #tpu.memory_space<vmem>>) target(%dma_start3A_32 : memref<640x16xf32, #tpu.memory_space<hbm>>) target_semaphore(%run_scoped3A : memref<!tpu.dma_semaphore, #tpu.memory_space<semaphore_mem>>)
      %dma_wait3A = arith.constant 0 : i32
      %dma_wait3A_33 = arith.constant 0 : i32
      %dma_wait3A_34 = arith.constant 0 : i32
      %dma_wait3A_35 = tpu.memref_slice %arg4[%arg0, %dma_wait3A, %dma_wait3A_33, %dma_wait3A_34] : memref<2x16x640x16xf32, #tpu.memory_space<hbm>> -> memref<1x16x640x16xf32, #tpu.memory_space<hbm>>
      %dma_wait3A_36 = tpu.memref_squeeze %dma_wait3A_35 : memref<1x16x640x16xf32, #tpu.memory_space<hbm>> -> memref<16x640x16xf32, #tpu.memory_space<hbm>>
      %dma_wait3A_37 = arith.constant 0 : i32
      %dma_wait3A_38 = arith.constant 0 : i32
      %dma_wait3A_39 = tpu.memref_slice %dma_wait3A_36[%arg1, %dma_wait3A_37, %dma_wait3A_38] : memref<16x640x16xf32, #tpu.memory_space<hbm>> -> memref<1x640x16xf32, #tpu.memory_space<hbm>>
      %dma_wait3A_40 = tpu.memref_squeeze %dma_wait3A_39 : memref<1x640x16xf32, #tpu.memory_space<hbm>> -> memref<640x16xf32, #tpu.memory_space<hbm>>
      %dma_wait3A_41 = arith.constant 0 : i32
      %dma_wait3A_42 = arith.constant 0 : i32
      %dma_wait3A_43 = arith.constant 0 : i32
      %dma_wait3A_44 = tpu.memref_slice %arg4[%arg0, %dma_wait3A_41, %dma_wait3A_42, %dma_wait3A_43] : memref<2x16x640x16xf32, #tpu.memory_space<hbm>> -> memref<1x16x640x16xf32, #tpu.memory_space<hbm>>
      %dma_wait3A_45 = tpu.memref_squeeze %dma_wait3A_44 : memref<1x16x640x16xf32, #tpu.memory_space<hbm>> -> memref<16x640x16xf32, #tpu.memory_space<hbm>>
      %dma_wait3A_46 = arith.constant 0 : i32
      %dma_wait3A_47 = arith.constant 0 : i32
      %dma_wait3A_48 = tpu.memref_slice %dma_wait3A_45[%arg1, %dma_wait3A_46, %dma_wait3A_47] : memref<16x640x16xf32, #tpu.memory_space<hbm>> -> memref<1x640x16xf32, #tpu.memory_space<hbm>>
      %dma_wait3A_49 = tpu.memref_squeeze %dma_wait3A_48 : memref<1x640x16xf32, #tpu.memory_space<hbm>> -> memref<640x16xf32, #tpu.memory_space<hbm>>
      tpu.wait_dma2 semaphore(%run_scoped3A : memref<!tpu.dma_semaphore, #tpu.memory_space<semaphore_mem>>) src(%arg6 : memref<640x16xf32, #tpu.memory_space<vmem>>) dst(%dma_wait3A_49 : memref<640x16xf32, #tpu.memory_space<hbm>>)
      tpu.yield
    }) : () -> ()
    return
  }
}

#map = affine_map<(d0, d1) -> (0, 0)>
#map1 = affine_map<(d0, d1) -> (0)>
#map2 = affine_map<(d0, d1) -> (0, 0, 0)>
module attributes {stable_mosaic.version = 14 : i64} {
  func.func @agg_kernel(%arg0: i32, %arg1: i32, %arg2: memref<10000x128xf32, #tpu.memory_space<hbm>>, %arg3: memref<327680xi32, #tpu.memory_space<hbm>>, %arg4: memref<327680xi32, #tpu.memory_space<hbm>>, %arg5: memref<640x128xf32, #tpu.memory_space<hbm>>, %arg6: memref<2x10000x128xf32, #tpu.memory_space<hbm>>, %arg7: memref<128xi32, #tpu.memory_space<vmem>>, %arg8: memref<128xi32, #tpu.memory_space<vmem>>, %arg9: memref<128xi32, #tpu.memory_space<vmem>>, %arg10: memref<128xi32, #tpu.memory_space<vmem>>, %arg11: memref<128xi32, #tpu.memory_space<vmem>>, %arg12: memref<128xi32, #tpu.memory_space<vmem>>, %arg13: memref<128xi32, #tpu.memory_space<vmem>>, %arg14: memref<128xi32, #tpu.memory_space<vmem>>, %arg15: memref<128x128xf32, #tpu.memory_space<vmem>>, %arg16: memref<128x128xf32, #tpu.memory_space<vmem>>, %arg17: memref<!tpu.dma_semaphore, #tpu.memory_space<semaphore_mem>>, %arg18: memref<!tpu.dma_semaphore, #tpu.memory_space<semaphore_mem>>, %arg19: memref<!tpu.dma_semaphore, #tpu.memory_space<semaphore_mem>>, %arg20: memref<!tpu.dma_semaphore, #tpu.memory_space<semaphore_mem>>, %arg21: memref<!tpu.dma_semaphore, #tpu.memory_space<semaphore_mem>>, %arg22: memref<!tpu.dma_semaphore, #tpu.memory_space<semaphore_mem>>, %arg23: memref<!tpu.dma_semaphore, #tpu.memory_space<semaphore_mem>>, %arg24: memref<!tpu.dma_semaphore, #tpu.memory_space<semaphore_mem>>, %arg25: memref<!tpu.dma_semaphore, #tpu.memory_space<semaphore_mem>>, %arg26: memref<!tpu.dma_semaphore, #tpu.memory_space<semaphore_mem>>, %arg27: memref<!tpu.dma_semaphore, #tpu.memory_space<semaphore_mem>>, %arg28: memref<!tpu.dma_semaphore, #tpu.memory_space<semaphore_mem>>, %arg29: memref<10240x128xf32, #tpu.memory_space<vmem_shared>>) attributes {dimension_semantics = [#tpu.dimension_semantics<core_parallel>, #tpu.dimension_semantics<subcore_parallel>], iteration_bounds = array<i64: 2, 16>, scalar_prefetch = 0 : i64, scratch_operands = 23 : i64, tpu.core_type = #tpu.core_type<sc_vector_subcore>, window_params = [{transform_indices = #map}, {transform_indices = #map1}, {transform_indices = #map1}, {transform_indices = #map}, {transform_indices = #map2}]} {
    %mul3A = arith.constant 2 : i32
    %mul3A_0 = arith.muli %arg1, %mul3A : i32
    %add3A = arith.addi %mul3A_0, %arg0 : i32
    %lt3A = arith.constant 15 : i32
    %lt3A_1 = arith.cmpi slt, %arg1, %lt3A : i32
    %convert_element_type3A = arith.extui %lt3A_1 : i1 to i32
    %cond3A = arith.constant 0 : i32
    %cond3A_2 = arith.cmpi ne, %convert_element_type3A, %cond3A : i32
    scf.if %cond3A_2 {
      %mul3A_57 = arith.constant 624 : i32
      %mul3A_58 = arith.muli %arg1, %mul3A_57 : i32
      "tpu.region"() ({
        %run_scoped3A = tpu.sem_alloc : memref<!tpu.dma_semaphore, #tpu.memory_space<semaphore_mem>>
        %dma_start3A_59 = arith.constant 0 : i32
        %dma_start3A_60 = tpu.memref_slice %arg29[%mul3A_58, %dma_start3A_59] : memref<10240x128xf32, #tpu.memory_space<vmem_shared>> -> memref<624x128xf32, #tpu.memory_space<vmem_shared>>
        %dma_start3A_61 = arith.constant 0 : i32
        %dma_start3A_62 = arith.constant 0 : i32
        %dma_start3A_63 = tpu.memref_slice %arg5[%dma_start3A_61, %dma_start3A_62] : memref<640x128xf32, #tpu.memory_space<hbm>> -> memref<624x128xf32, #tpu.memory_space<hbm>>
        tpu.enqueue_dma source(%dma_start3A_63 : memref<624x128xf32, #tpu.memory_space<hbm>>) target(%dma_start3A_60 : memref<624x128xf32, #tpu.memory_space<vmem_shared>>) target_semaphore(%run_scoped3A : memref<!tpu.dma_semaphore, #tpu.memory_space<semaphore_mem>>)
        %dma_wait3A_64 = arith.constant 0 : i32
        %dma_wait3A_65 = tpu.memref_slice %arg29[%mul3A_58, %dma_wait3A_64] : memref<10240x128xf32, #tpu.memory_space<vmem_shared>> -> memref<624x128xf32, #tpu.memory_space<vmem_shared>>
        %dma_wait3A_66 = arith.constant 0 : i32
        %dma_wait3A_67 = arith.constant 0 : i32
        %dma_wait3A_68 = tpu.memref_slice %arg5[%dma_wait3A_66, %dma_wait3A_67] : memref<640x128xf32, #tpu.memory_space<hbm>> -> memref<624x128xf32, #tpu.memory_space<hbm>>
        tpu.wait_dma2 semaphore(%run_scoped3A : memref<!tpu.dma_semaphore, #tpu.memory_space<semaphore_mem>>) src(%dma_wait3A_68 : memref<624x128xf32, #tpu.memory_space<hbm>>) dst(%dma_wait3A_65 : memref<624x128xf32, #tpu.memory_space<vmem_shared>>)
        tpu.yield
      }) : () -> ()
    } else {
    }
    %eq3A = arith.constant 15 : i32
    %eq3A_3 = arith.cmpi eq, %arg1, %eq3A : i32
    %convert_element_type3A_4 = arith.extui %eq3A_3 : i1 to i32
    %cond3A_5 = arith.constant 0 : i32
    %cond3A_6 = arith.cmpi ne, %convert_element_type3A_4, %cond3A_5 : i32
    scf.if %cond3A_6 {
      "tpu.region"() ({
        %run_scoped3A = tpu.sem_alloc : memref<!tpu.dma_semaphore, #tpu.memory_space<semaphore_mem>>
        %dma_start3A_57 = arith.constant 9360 : i32
        %dma_start3A_58 = arith.constant 0 : i32
        %dma_start3A_59 = tpu.memref_slice %arg29[%dma_start3A_57, %dma_start3A_58] : memref<10240x128xf32, #tpu.memory_space<vmem_shared>> -> memref<640x128xf32, #tpu.memory_space<vmem_shared>>
        tpu.enqueue_dma source(%arg5 : memref<640x128xf32, #tpu.memory_space<hbm>>) target(%dma_start3A_59 : memref<640x128xf32, #tpu.memory_space<vmem_shared>>) target_semaphore(%run_scoped3A : memref<!tpu.dma_semaphore, #tpu.memory_space<semaphore_mem>>)
        %dma_wait3A_60 = arith.constant 9360 : i32
        %dma_wait3A_61 = arith.constant 0 : i32
        %dma_wait3A_62 = tpu.memref_slice %arg29[%dma_wait3A_60, %dma_wait3A_61] : memref<10240x128xf32, #tpu.memory_space<vmem_shared>> -> memref<640x128xf32, #tpu.memory_space<vmem_shared>>
        tpu.wait_dma2 semaphore(%run_scoped3A : memref<!tpu.dma_semaphore, #tpu.memory_space<semaphore_mem>>) src(%arg5 : memref<640x128xf32, #tpu.memory_space<hbm>>) dst(%dma_wait3A_62 : memref<640x128xf32, #tpu.memory_space<vmem_shared>>)
        tpu.yield
      }) : () -> ()
    } else {
    }
    %barrier3A = arith.constant 0 : index
    tpu.barrier barrier_id(%barrier3A)
    %mul3A_7 = arith.constant 10240 : i32
    %mul3A_8 = arith.muli %add3A, %mul3A_7 : i32
    %add3A_9 = arith.constant 0 : i32
    %add3A_10 = arith.addi %mul3A_8, %add3A_9 : i32
    %dma_start3A = tpu.memref_slice %arg3[%add3A_10] : memref<327680xi32, #tpu.memory_space<hbm>> -> memref<128xi32, #tpu.memory_space<hbm>>
    %dma_start3A_11 = tpu.memref_slice %arg3[%add3A_10] : memref<327680xi32, #tpu.memory_space<hbm>> -> memref<128xi32, #tpu.memory_space<hbm>>
    tpu.enqueue_dma source(%dma_start3A_11 : memref<128xi32, #tpu.memory_space<hbm>>) target(%arg7 : memref<128xi32, #tpu.memory_space<vmem>>) target_semaphore(%arg17 : memref<!tpu.dma_semaphore, #tpu.memory_space<semaphore_mem>>)
    %dma_start3A_12 = tpu.memref_slice %arg4[%add3A_10] : memref<327680xi32, #tpu.memory_space<hbm>> -> memref<128xi32, #tpu.memory_space<hbm>>
    %dma_start3A_13 = tpu.memref_slice %arg4[%add3A_10] : memref<327680xi32, #tpu.memory_space<hbm>> -> memref<128xi32, #tpu.memory_space<hbm>>
    tpu.enqueue_dma source(%dma_start3A_13 : memref<128xi32, #tpu.memory_space<hbm>>) target(%arg11 : memref<128xi32, #tpu.memory_space<vmem>>) target_semaphore(%arg21 : memref<!tpu.dma_semaphore, #tpu.memory_space<semaphore_mem>>)
    %add3A_14 = arith.constant 128 : i32
    %add3A_15 = arith.addi %mul3A_8, %add3A_14 : i32
    %dma_start3A_16 = tpu.memref_slice %arg3[%add3A_15] : memref<327680xi32, #tpu.memory_space<hbm>> -> memref<128xi32, #tpu.memory_space<hbm>>
    %dma_start3A_17 = tpu.memref_slice %arg3[%add3A_15] : memref<327680xi32, #tpu.memory_space<hbm>> -> memref<128xi32, #tpu.memory_space<hbm>>
    tpu.enqueue_dma source(%dma_start3A_17 : memref<128xi32, #tpu.memory_space<hbm>>) target(%arg8 : memref<128xi32, #tpu.memory_space<vmem>>) target_semaphore(%arg18 : memref<!tpu.dma_semaphore, #tpu.memory_space<semaphore_mem>>)
    %dma_start3A_18 = tpu.memref_slice %arg4[%add3A_15] : memref<327680xi32, #tpu.memory_space<hbm>> -> memref<128xi32, #tpu.memory_space<hbm>>
    %dma_start3A_19 = tpu.memref_slice %arg4[%add3A_15] : memref<327680xi32, #tpu.memory_space<hbm>> -> memref<128xi32, #tpu.memory_space<hbm>>
    tpu.enqueue_dma source(%dma_start3A_19 : memref<128xi32, #tpu.memory_space<hbm>>) target(%arg12 : memref<128xi32, #tpu.memory_space<vmem>>) target_semaphore(%arg22 : memref<!tpu.dma_semaphore, #tpu.memory_space<semaphore_mem>>)
    %add3A_20 = arith.constant 256 : i32
    %add3A_21 = arith.addi %mul3A_8, %add3A_20 : i32
    %dma_start3A_22 = tpu.memref_slice %arg3[%add3A_21] : memref<327680xi32, #tpu.memory_space<hbm>> -> memref<128xi32, #tpu.memory_space<hbm>>
    %dma_start3A_23 = tpu.memref_slice %arg3[%add3A_21] : memref<327680xi32, #tpu.memory_space<hbm>> -> memref<128xi32, #tpu.memory_space<hbm>>
    tpu.enqueue_dma source(%dma_start3A_23 : memref<128xi32, #tpu.memory_space<hbm>>) target(%arg9 : memref<128xi32, #tpu.memory_space<vmem>>) target_semaphore(%arg19 : memref<!tpu.dma_semaphore, #tpu.memory_space<semaphore_mem>>)
    %dma_start3A_24 = tpu.memref_slice %arg4[%add3A_21] : memref<327680xi32, #tpu.memory_space<hbm>> -> memref<128xi32, #tpu.memory_space<hbm>>
    %dma_start3A_25 = tpu.memref_slice %arg4[%add3A_21] : memref<327680xi32, #tpu.memory_space<hbm>> -> memref<128xi32, #tpu.memory_space<hbm>>
    tpu.enqueue_dma source(%dma_start3A_25 : memref<128xi32, #tpu.memory_space<hbm>>) target(%arg13 : memref<128xi32, #tpu.memory_space<vmem>>) target_semaphore(%arg23 : memref<!tpu.dma_semaphore, #tpu.memory_space<semaphore_mem>>)
    %dma_wait3A = arith.constant 0 : i32
    %dma_wait3A_26 = tpu.memref_slice %arg3[%dma_wait3A] : memref<327680xi32, #tpu.memory_space<hbm>> -> memref<128xi32, #tpu.memory_space<hbm>>
    %dma_wait3A_27 = arith.constant 0 : i32
    %dma_wait3A_28 = tpu.memref_slice %arg3[%dma_wait3A_27] : memref<327680xi32, #tpu.memory_space<hbm>> -> memref<128xi32, #tpu.memory_space<hbm>>
    tpu.wait_dma2 semaphore(%arg17 : memref<!tpu.dma_semaphore, #tpu.memory_space<semaphore_mem>>) src(%dma_wait3A_28 : memref<128xi32, #tpu.memory_space<hbm>>) dst(%arg7 : memref<128xi32, #tpu.memory_space<vmem>>)
    %dma_wait3A_29 = arith.constant 0 : i32
    %dma_wait3A_30 = tpu.memref_slice %arg4[%dma_wait3A_29] : memref<327680xi32, #tpu.memory_space<hbm>> -> memref<128xi32, #tpu.memory_space<hbm>>
    %dma_wait3A_31 = arith.constant 0 : i32
    %dma_wait3A_32 = tpu.memref_slice %arg4[%dma_wait3A_31] : memref<327680xi32, #tpu.memory_space<hbm>> -> memref<128xi32, #tpu.memory_space<hbm>>
    tpu.wait_dma2 semaphore(%arg21 : memref<!tpu.dma_semaphore, #tpu.memory_space<semaphore_mem>>) src(%dma_wait3A_32 : memref<128xi32, #tpu.memory_space<hbm>>) dst(%arg11 : memref<128xi32, #tpu.memory_space<vmem>>)
    %dma_start3A_33 = arith.constant 0 : i32
    %dma_start3A_34 = arith.constant 0 : i32
    %dma_start3A_35 = tpu.memref_slice %arg2[%dma_start3A_33, %dma_start3A_34] : memref<10000x128xf32, #tpu.memory_space<hbm>> -> memref<10000x128xf32, #tpu.memory_space<hbm>>
    tpu.enqueue_indirect_dma source(%dma_start3A_35 : memref<10000x128xf32, #tpu.memory_space<hbm>>) target(%arg15 : memref<128x128xf32, #tpu.memory_space<vmem>>) offsets(%arg7 : memref<128xi32, #tpu.memory_space<vmem>>) semaphore(%arg25 : memref<!tpu.dma_semaphore, #tpu.memory_space<semaphore_mem>>)
    %scan3A = arith.constant 0 : i32
    %scan3A_36 = arith.constant 20 : i32
    %scan3A_37 = arith.addi %scan3A, %scan3A_36 : i32
    %scan3A_38 = arith.constant 1 : i32
    scf.for %scan3A_57 = %scan3A to %scan3A_37 step %scan3A_38  : i32 {
      %mul3A_58 = arith.constant 4 : i32
      %mul3A_59 = arith.muli %scan3A_57, %mul3A_58 : i32
      %add3A_60 = arith.constant 0 : i32
      %add3A_61 = arith.addi %add3A_60, %mul3A_59 : i32
      %dma_wait3A_62 = arith.constant 0 : i32
      %dma_wait3A_63 = arith.constant 0 : i32
      %dma_wait3A_64 = tpu.memref_slice %arg2[%dma_wait3A_62, %dma_wait3A_63] : memref<10000x128xf32, #tpu.memory_space<hbm>> -> memref<10000x128xf32, #tpu.memory_space<hbm>>
      tpu.wait_indirect_dma semaphore(%arg25 : memref<!tpu.dma_semaphore, #tpu.memory_space<semaphore_mem>>) src(%dma_wait3A_64 : memref<10000x128xf32, #tpu.memory_space<hbm>>) dst(%arg15 : memref<128x128xf32, #tpu.memory_space<vmem>>)
      %dma_start3A_65 = arith.constant 0 : i32
      %dma_start3A_66 = arith.constant 0 : i32
      %dma_start3A_67 = tpu.memref_slice %arg29[%dma_start3A_65, %dma_start3A_66] : memref<10240x128xf32, #tpu.memory_space<vmem_shared>> -> memref<10240x128xf32, #tpu.memory_space<vmem_shared>>
      tpu.enqueue_indirect_dma source(%arg15 : memref<128x128xf32, #tpu.memory_space<vmem>>) target(%dma_start3A_67 : memref<10240x128xf32, #tpu.memory_space<vmem_shared>>) offsets(%arg11 : memref<128xi32, #tpu.memory_space<vmem>>) semaphore(%arg27 : memref<!tpu.dma_semaphore, #tpu.memory_space<semaphore_mem>>) {add = true}
      %dma_wait3A_68 = arith.constant 0 : i32
      %dma_wait3A_69 = tpu.memref_slice %arg3[%dma_wait3A_68] : memref<327680xi32, #tpu.memory_space<hbm>> -> memref<128xi32, #tpu.memory_space<hbm>>
      %dma_wait3A_70 = arith.constant 0 : i32
      %dma_wait3A_71 = tpu.memref_slice %arg3[%dma_wait3A_70] : memref<327680xi32, #tpu.memory_space<hbm>> -> memref<128xi32, #tpu.memory_space<hbm>>
      tpu.wait_dma2 semaphore(%arg18 : memref<!tpu.dma_semaphore, #tpu.memory_space<semaphore_mem>>) src(%dma_wait3A_71 : memref<128xi32, #tpu.memory_space<hbm>>) dst(%arg8 : memref<128xi32, #tpu.memory_space<vmem>>)
      %dma_wait3A_72 = arith.constant 0 : i32
      %dma_wait3A_73 = tpu.memref_slice %arg4[%dma_wait3A_72] : memref<327680xi32, #tpu.memory_space<hbm>> -> memref<128xi32, #tpu.memory_space<hbm>>
      %dma_wait3A_74 = arith.constant 0 : i32
      %dma_wait3A_75 = tpu.memref_slice %arg4[%dma_wait3A_74] : memref<327680xi32, #tpu.memory_space<hbm>> -> memref<128xi32, #tpu.memory_space<hbm>>
      tpu.wait_dma2 semaphore(%arg22 : memref<!tpu.dma_semaphore, #tpu.memory_space<semaphore_mem>>) src(%dma_wait3A_75 : memref<128xi32, #tpu.memory_space<hbm>>) dst(%arg12 : memref<128xi32, #tpu.memory_space<vmem>>)
      %gt3A = arith.constant 0 : i32
      %gt3A_76 = arith.cmpi sgt, %add3A_61, %gt3A : i32
      %convert_element_type3A_77 = arith.extui %gt3A_76 : i1 to i32
      %cond3A_78 = arith.constant 0 : i32
      %cond3A_79 = arith.cmpi ne, %convert_element_type3A_77, %cond3A_78 : i32
      scf.if %cond3A_79 {
        %dma_wait3A_163 = arith.constant 0 : i32
        %dma_wait3A_164 = arith.constant 0 : i32
        %dma_wait3A_165 = tpu.memref_slice %arg29[%dma_wait3A_163, %dma_wait3A_164] : memref<10240x128xf32, #tpu.memory_space<vmem_shared>> -> memref<10240x128xf32, #tpu.memory_space<vmem_shared>>
        tpu.wait_indirect_dma semaphore(%arg28 : memref<!tpu.dma_semaphore, #tpu.memory_space<semaphore_mem>>) src(%arg16 : memref<128x128xf32, #tpu.memory_space<vmem>>) dst(%dma_wait3A_165 : memref<10240x128xf32, #tpu.memory_space<vmem_shared>>)
      } else {
      }
      %dma_start3A_80 = arith.constant 0 : i32
      %dma_start3A_81 = arith.constant 0 : i32
      %dma_start3A_82 = tpu.memref_slice %arg2[%dma_start3A_80, %dma_start3A_81] : memref<10000x128xf32, #tpu.memory_space<hbm>> -> memref<10000x128xf32, #tpu.memory_space<hbm>>
      tpu.enqueue_indirect_dma source(%dma_start3A_82 : memref<10000x128xf32, #tpu.memory_space<hbm>>) target(%arg16 : memref<128x128xf32, #tpu.memory_space<vmem>>) offsets(%arg8 : memref<128xi32, #tpu.memory_space<vmem>>) semaphore(%arg26 : memref<!tpu.dma_semaphore, #tpu.memory_space<semaphore_mem>>)
      %add3A_83 = arith.constant 0 : i32
      %add3A_84 = arith.addi %add3A_61, %add3A_83 : i32
      %add3A_85 = arith.constant 3 : i32
      %add3A_86 = arith.addi %add3A_84, %add3A_85 : i32
      %mul3A_87 = arith.constant 128 : i32
      %mul3A_88 = arith.muli %add3A_86, %mul3A_87 : i32
      %add3A_89 = arith.addi %mul3A_8, %mul3A_88 : i32
      %dma_start3A_90 = tpu.memref_slice %arg3[%add3A_89] : memref<327680xi32, #tpu.memory_space<hbm>> -> memref<128xi32, #tpu.memory_space<hbm>>
      %dma_start3A_91 = tpu.memref_slice %arg3[%add3A_89] : memref<327680xi32, #tpu.memory_space<hbm>> -> memref<128xi32, #tpu.memory_space<hbm>>
      tpu.enqueue_dma source(%dma_start3A_91 : memref<128xi32, #tpu.memory_space<hbm>>) target(%arg10 : memref<128xi32, #tpu.memory_space<vmem>>) target_semaphore(%arg20 : memref<!tpu.dma_semaphore, #tpu.memory_space<semaphore_mem>>)
      %dma_start3A_92 = tpu.memref_slice %arg4[%add3A_89] : memref<327680xi32, #tpu.memory_space<hbm>> -> memref<128xi32, #tpu.memory_space<hbm>>
      %dma_start3A_93 = tpu.memref_slice %arg4[%add3A_89] : memref<327680xi32, #tpu.memory_space<hbm>> -> memref<128xi32, #tpu.memory_space<hbm>>
      tpu.enqueue_dma source(%dma_start3A_93 : memref<128xi32, #tpu.memory_space<hbm>>) target(%arg14 : memref<128xi32, #tpu.memory_space<vmem>>) target_semaphore(%arg24 : memref<!tpu.dma_semaphore, #tpu.memory_space<semaphore_mem>>)
      %dma_wait3A_94 = arith.constant 0 : i32
      %dma_wait3A_95 = arith.constant 0 : i32
      %dma_wait3A_96 = tpu.memref_slice %arg2[%dma_wait3A_94, %dma_wait3A_95] : memref<10000x128xf32, #tpu.memory_space<hbm>> -> memref<10000x128xf32, #tpu.memory_space<hbm>>
      tpu.wait_indirect_dma semaphore(%arg26 : memref<!tpu.dma_semaphore, #tpu.memory_space<semaphore_mem>>) src(%dma_wait3A_96 : memref<10000x128xf32, #tpu.memory_space<hbm>>) dst(%arg16 : memref<128x128xf32, #tpu.memory_space<vmem>>)
      %dma_start3A_97 = arith.constant 0 : i32
      %dma_start3A_98 = arith.constant 0 : i32
      %dma_start3A_99 = tpu.memref_slice %arg29[%dma_start3A_97, %dma_start3A_98] : memref<10240x128xf32, #tpu.memory_space<vmem_shared>> -> memref<10240x128xf32, #tpu.memory_space<vmem_shared>>
      tpu.enqueue_indirect_dma source(%arg16 : memref<128x128xf32, #tpu.memory_space<vmem>>) target(%dma_start3A_99 : memref<10240x128xf32, #tpu.memory_space<vmem_shared>>) offsets(%arg12 : memref<128xi32, #tpu.memory_space<vmem>>) semaphore(%arg28 : memref<!tpu.dma_semaphore, #tpu.memory_space<semaphore_mem>>) {add = true}
      %dma_wait3A_100 = arith.constant 0 : i32
      %dma_wait3A_101 = tpu.memref_slice %arg3[%dma_wait3A_100] : memref<327680xi32, #tpu.memory_space<hbm>> -> memref<128xi32, #tpu.memory_space<hbm>>
      %dma_wait3A_102 = arith.constant 0 : i32
      %dma_wait3A_103 = tpu.memref_slice %arg3[%dma_wait3A_102] : memref<327680xi32, #tpu.memory_space<hbm>> -> memref<128xi32, #tpu.memory_space<hbm>>
      tpu.wait_dma2 semaphore(%arg19 : memref<!tpu.dma_semaphore, #tpu.memory_space<semaphore_mem>>) src(%dma_wait3A_103 : memref<128xi32, #tpu.memory_space<hbm>>) dst(%arg9 : memref<128xi32, #tpu.memory_space<vmem>>)
      %dma_wait3A_104 = arith.constant 0 : i32
      %dma_wait3A_105 = tpu.memref_slice %arg4[%dma_wait3A_104] : memref<327680xi32, #tpu.memory_space<hbm>> -> memref<128xi32, #tpu.memory_space<hbm>>
      %dma_wait3A_106 = arith.constant 0 : i32
      %dma_wait3A_107 = tpu.memref_slice %arg4[%dma_wait3A_106] : memref<327680xi32, #tpu.memory_space<hbm>> -> memref<128xi32, #tpu.memory_space<hbm>>
      tpu.wait_dma2 semaphore(%arg23 : memref<!tpu.dma_semaphore, #tpu.memory_space<semaphore_mem>>) src(%dma_wait3A_107 : memref<128xi32, #tpu.memory_space<hbm>>) dst(%arg13 : memref<128xi32, #tpu.memory_space<vmem>>)
      %dma_wait3A_108 = arith.constant 0 : i32
      %dma_wait3A_109 = arith.constant 0 : i32
      %dma_wait3A_110 = tpu.memref_slice %arg29[%dma_wait3A_108, %dma_wait3A_109] : memref<10240x128xf32, #tpu.memory_space<vmem_shared>> -> memref<10240x128xf32, #tpu.memory_space<vmem_shared>>
      tpu.wait_indirect_dma semaphore(%arg27 : memref<!tpu.dma_semaphore, #tpu.memory_space<semaphore_mem>>) src(%arg15 : memref<128x128xf32, #tpu.memory_space<vmem>>) dst(%dma_wait3A_110 : memref<10240x128xf32, #tpu.memory_space<vmem_shared>>)
      %dma_start3A_111 = arith.constant 0 : i32
      %dma_start3A_112 = arith.constant 0 : i32
      %dma_start3A_113 = tpu.memref_slice %arg2[%dma_start3A_111, %dma_start3A_112] : memref<10000x128xf32, #tpu.memory_space<hbm>> -> memref<10000x128xf32, #tpu.memory_space<hbm>>
      tpu.enqueue_indirect_dma source(%dma_start3A_113 : memref<10000x128xf32, #tpu.memory_space<hbm>>) target(%arg15 : memref<128x128xf32, #tpu.memory_space<vmem>>) offsets(%arg9 : memref<128xi32, #tpu.memory_space<vmem>>) semaphore(%arg25 : memref<!tpu.dma_semaphore, #tpu.memory_space<semaphore_mem>>)
      %add3A_114 = arith.constant 1 : i32
      %add3A_115 = arith.addi %add3A_61, %add3A_114 : i32
      %add3A_116 = arith.constant 3 : i32
      %add3A_117 = arith.addi %add3A_115, %add3A_116 : i32
      %lt3A_118 = arith.constant 76 : i32
      %lt3A_119 = arith.cmpi slt, %add3A_61, %lt3A_118 : i32
      %convert_element_type3A_120 = arith.extui %lt3A_119 : i1 to i32
      %cond3A_121 = arith.constant 0 : i32
      %cond3A_122 = arith.cmpi ne, %convert_element_type3A_120, %cond3A_121 : i32
      scf.if %cond3A_122 {
        %mul3A_163 = arith.constant 128 : i32
        %mul3A_164 = arith.muli %add3A_117, %mul3A_163 : i32
        %add3A_165 = arith.addi %mul3A_8, %mul3A_164 : i32
        %dma_start3A_166 = tpu.memref_slice %arg3[%add3A_165] : memref<327680xi32, #tpu.memory_space<hbm>> -> memref<128xi32, #tpu.memory_space<hbm>>
        %dma_start3A_167 = tpu.memref_slice %arg3[%add3A_165] : memref<327680xi32, #tpu.memory_space<hbm>> -> memref<128xi32, #tpu.memory_space<hbm>>
        tpu.enqueue_dma source(%dma_start3A_167 : memref<128xi32, #tpu.memory_space<hbm>>) target(%arg7 : memref<128xi32, #tpu.memory_space<vmem>>) target_semaphore(%arg17 : memref<!tpu.dma_semaphore, #tpu.memory_space<semaphore_mem>>)
        %dma_start3A_168 = tpu.memref_slice %arg4[%add3A_165] : memref<327680xi32, #tpu.memory_space<hbm>> -> memref<128xi32, #tpu.memory_space<hbm>>
        %dma_start3A_169 = tpu.memref_slice %arg4[%add3A_165] : memref<327680xi32, #tpu.memory_space<hbm>> -> memref<128xi32, #tpu.memory_space<hbm>>
        tpu.enqueue_dma source(%dma_start3A_169 : memref<128xi32, #tpu.memory_space<hbm>>) target(%arg11 : memref<128xi32, #tpu.memory_space<vmem>>) target_semaphore(%arg21 : memref<!tpu.dma_semaphore, #tpu.memory_space<semaphore_mem>>)
      } else {
      }
      %dma_wait3A_123 = arith.constant 0 : i32
      %dma_wait3A_124 = arith.constant 0 : i32
      %dma_wait3A_125 = tpu.memref_slice %arg2[%dma_wait3A_123, %dma_wait3A_124] : memref<10000x128xf32, #tpu.memory_space<hbm>> -> memref<10000x128xf32, #tpu.memory_space<hbm>>
      tpu.wait_indirect_dma semaphore(%arg25 : memref<!tpu.dma_semaphore, #tpu.memory_space<semaphore_mem>>) src(%dma_wait3A_125 : memref<10000x128xf32, #tpu.memory_space<hbm>>) dst(%arg15 : memref<128x128xf32, #tpu.memory_space<vmem>>)
      %dma_start3A_126 = arith.constant 0 : i32
      %dma_start3A_127 = arith.constant 0 : i32
      %dma_start3A_128 = tpu.memref_slice %arg29[%dma_start3A_126, %dma_start3A_127] : memref<10240x128xf32, #tpu.memory_space<vmem_shared>> -> memref<10240x128xf32, #tpu.memory_space<vmem_shared>>
      tpu.enqueue_indirect_dma source(%arg15 : memref<128x128xf32, #tpu.memory_space<vmem>>) target(%dma_start3A_128 : memref<10240x128xf32, #tpu.memory_space<vmem_shared>>) offsets(%arg13 : memref<128xi32, #tpu.memory_space<vmem>>) semaphore(%arg27 : memref<!tpu.dma_semaphore, #tpu.memory_space<semaphore_mem>>) {add = true}
      %dma_wait3A_129 = arith.constant 0 : i32
      %dma_wait3A_130 = tpu.memref_slice %arg3[%dma_wait3A_129] : memref<327680xi32, #tpu.memory_space<hbm>> -> memref<128xi32, #tpu.memory_space<hbm>>
      %dma_wait3A_131 = arith.constant 0 : i32
      %dma_wait3A_132 = tpu.memref_slice %arg3[%dma_wait3A_131] : memref<327680xi32, #tpu.memory_space<hbm>> -> memref<128xi32, #tpu.memory_space<hbm>>
      tpu.wait_dma2 semaphore(%arg20 : memref<!tpu.dma_semaphore, #tpu.memory_space<semaphore_mem>>) src(%dma_wait3A_132 : memref<128xi32, #tpu.memory_space<hbm>>) dst(%arg10 : memref<128xi32, #tpu.memory_space<vmem>>)
      %dma_wait3A_133 = arith.constant 0 : i32
      %dma_wait3A_134 = tpu.memref_slice %arg4[%dma_wait3A_133] : memref<327680xi32, #tpu.memory_space<hbm>> -> memref<128xi32, #tpu.memory_space<hbm>>
      %dma_wait3A_135 = arith.constant 0 : i32
      %dma_wait3A_136 = tpu.memref_slice %arg4[%dma_wait3A_135] : memref<327680xi32, #tpu.memory_space<hbm>> -> memref<128xi32, #tpu.memory_space<hbm>>
      tpu.wait_dma2 semaphore(%arg24 : memref<!tpu.dma_semaphore, #tpu.memory_space<semaphore_mem>>) src(%dma_wait3A_136 : memref<128xi32, #tpu.memory_space<hbm>>) dst(%arg14 : memref<128xi32, #tpu.memory_space<vmem>>)
      %dma_wait3A_137 = arith.constant 0 : i32
      %dma_wait3A_138 = arith.constant 0 : i32
      %dma_wait3A_139 = tpu.memref_slice %arg29[%dma_wait3A_137, %dma_wait3A_138] : memref<10240x128xf32, #tpu.memory_space<vmem_shared>> -> memref<10240x128xf32, #tpu.memory_space<vmem_shared>>
      tpu.wait_indirect_dma semaphore(%arg28 : memref<!tpu.dma_semaphore, #tpu.memory_space<semaphore_mem>>) src(%arg16 : memref<128x128xf32, #tpu.memory_space<vmem>>) dst(%dma_wait3A_139 : memref<10240x128xf32, #tpu.memory_space<vmem_shared>>)
      %dma_start3A_140 = arith.constant 0 : i32
      %dma_start3A_141 = arith.constant 0 : i32
      %dma_start3A_142 = tpu.memref_slice %arg2[%dma_start3A_140, %dma_start3A_141] : memref<10000x128xf32, #tpu.memory_space<hbm>> -> memref<10000x128xf32, #tpu.memory_space<hbm>>
      tpu.enqueue_indirect_dma source(%dma_start3A_142 : memref<10000x128xf32, #tpu.memory_space<hbm>>) target(%arg16 : memref<128x128xf32, #tpu.memory_space<vmem>>) offsets(%arg10 : memref<128xi32, #tpu.memory_space<vmem>>) semaphore(%arg26 : memref<!tpu.dma_semaphore, #tpu.memory_space<semaphore_mem>>)
      %add3A_143 = arith.constant 2 : i32
      %add3A_144 = arith.addi %add3A_61, %add3A_143 : i32
      %add3A_145 = arith.constant 3 : i32
      %add3A_146 = arith.addi %add3A_144, %add3A_145 : i32
      %lt3A_147 = arith.constant 76 : i32
      %lt3A_148 = arith.cmpi slt, %add3A_61, %lt3A_147 : i32
      %convert_element_type3A_149 = arith.extui %lt3A_148 : i1 to i32
      %cond3A_150 = arith.constant 0 : i32
      %cond3A_151 = arith.cmpi ne, %convert_element_type3A_149, %cond3A_150 : i32
      scf.if %cond3A_151 {
        %mul3A_163 = arith.constant 128 : i32
        %mul3A_164 = arith.muli %add3A_146, %mul3A_163 : i32
        %add3A_165 = arith.addi %mul3A_8, %mul3A_164 : i32
        %dma_start3A_166 = tpu.memref_slice %arg3[%add3A_165] : memref<327680xi32, #tpu.memory_space<hbm>> -> memref<128xi32, #tpu.memory_space<hbm>>
        %dma_start3A_167 = tpu.memref_slice %arg3[%add3A_165] : memref<327680xi32, #tpu.memory_space<hbm>> -> memref<128xi32, #tpu.memory_space<hbm>>
        tpu.enqueue_dma source(%dma_start3A_167 : memref<128xi32, #tpu.memory_space<hbm>>) target(%arg8 : memref<128xi32, #tpu.memory_space<vmem>>) target_semaphore(%arg18 : memref<!tpu.dma_semaphore, #tpu.memory_space<semaphore_mem>>)
        %dma_start3A_168 = tpu.memref_slice %arg4[%add3A_165] : memref<327680xi32, #tpu.memory_space<hbm>> -> memref<128xi32, #tpu.memory_space<hbm>>
        %dma_start3A_169 = tpu.memref_slice %arg4[%add3A_165] : memref<327680xi32, #tpu.memory_space<hbm>> -> memref<128xi32, #tpu.memory_space<hbm>>
        tpu.enqueue_dma source(%dma_start3A_169 : memref<128xi32, #tpu.memory_space<hbm>>) target(%arg12 : memref<128xi32, #tpu.memory_space<vmem>>) target_semaphore(%arg22 : memref<!tpu.dma_semaphore, #tpu.memory_space<semaphore_mem>>)
      } else {
      }
      %dma_wait3A_152 = arith.constant 0 : i32
      %dma_wait3A_153 = arith.constant 0 : i32
      %dma_wait3A_154 = tpu.memref_slice %arg2[%dma_wait3A_152, %dma_wait3A_153] : memref<10000x128xf32, #tpu.memory_space<hbm>> -> memref<10000x128xf32, #tpu.memory_space<hbm>>
      tpu.wait_indirect_dma semaphore(%arg26 : memref<!tpu.dma_semaphore, #tpu.memory_space<semaphore_mem>>) src(%dma_wait3A_154 : memref<10000x128xf32, #tpu.memory_space<hbm>>) dst(%arg16 : memref<128x128xf32, #tpu.memory_space<vmem>>)
      %dma_start3A_155 = arith.constant 0 : i32
      %dma_start3A_156 = arith.constant 0 : i32
      %dma_start3A_157 = tpu.memref_slice %arg29[%dma_start3A_155, %dma_start3A_156] : memref<10240x128xf32, #tpu.memory_space<vmem_shared>> -> memref<10240x128xf32, #tpu.memory_space<vmem_shared>>
      tpu.enqueue_indirect_dma source(%arg16 : memref<128x128xf32, #tpu.memory_space<vmem>>) target(%dma_start3A_157 : memref<10240x128xf32, #tpu.memory_space<vmem_shared>>) offsets(%arg14 : memref<128xi32, #tpu.memory_space<vmem>>) semaphore(%arg28 : memref<!tpu.dma_semaphore, #tpu.memory_space<semaphore_mem>>) {add = true}
      %lt3A_158 = arith.constant 76 : i32
      %lt3A_159 = arith.cmpi slt, %add3A_61, %lt3A_158 : i32
      %convert_element_type3A_160 = arith.extui %lt3A_159 : i1 to i32
      %cond3A_161 = arith.constant 0 : i32
      %cond3A_162 = arith.cmpi ne, %convert_element_type3A_160, %cond3A_161 : i32
      scf.if %cond3A_162 {
        %dma_wait3A_163 = arith.constant 0 : i32
        %dma_wait3A_164 = tpu.memref_slice %arg3[%dma_wait3A_163] : memref<327680xi32, #tpu.memory_space<hbm>> -> memref<128xi32, #tpu.memory_space<hbm>>
        %dma_wait3A_165 = arith.constant 0 : i32
        %dma_wait3A_166 = tpu.memref_slice %arg3[%dma_wait3A_165] : memref<327680xi32, #tpu.memory_space<hbm>> -> memref<128xi32, #tpu.memory_space<hbm>>
        tpu.wait_dma2 semaphore(%arg17 : memref<!tpu.dma_semaphore, #tpu.memory_space<semaphore_mem>>) src(%dma_wait3A_166 : memref<128xi32, #tpu.memory_space<hbm>>) dst(%arg7 : memref<128xi32, #tpu.memory_space<vmem>>)
        %dma_wait3A_167 = arith.constant 0 : i32
        %dma_wait3A_168 = tpu.memref_slice %arg4[%dma_wait3A_167] : memref<327680xi32, #tpu.memory_space<hbm>> -> memref<128xi32, #tpu.memory_space<hbm>>
        %dma_wait3A_169 = arith.constant 0 : i32
        %dma_wait3A_170 = tpu.memref_slice %arg4[%dma_wait3A_169] : memref<327680xi32, #tpu.memory_space<hbm>> -> memref<128xi32, #tpu.memory_space<hbm>>
        tpu.wait_dma2 semaphore(%arg21 : memref<!tpu.dma_semaphore, #tpu.memory_space<semaphore_mem>>) src(%dma_wait3A_170 : memref<128xi32, #tpu.memory_space<hbm>>) dst(%arg11 : memref<128xi32, #tpu.memory_space<vmem>>)
        %dma_wait3A_171 = arith.constant 0 : i32
        %dma_wait3A_172 = arith.constant 0 : i32
        %dma_wait3A_173 = tpu.memref_slice %arg29[%dma_wait3A_171, %dma_wait3A_172] : memref<10240x128xf32, #tpu.memory_space<vmem_shared>> -> memref<10240x128xf32, #tpu.memory_space<vmem_shared>>
        tpu.wait_indirect_dma semaphore(%arg27 : memref<!tpu.dma_semaphore, #tpu.memory_space<semaphore_mem>>) src(%arg15 : memref<128x128xf32, #tpu.memory_space<vmem>>) dst(%dma_wait3A_173 : memref<10240x128xf32, #tpu.memory_space<vmem_shared>>)
        %dma_start3A_174 = arith.constant 0 : i32
        %dma_start3A_175 = arith.constant 0 : i32
        %dma_start3A_176 = tpu.memref_slice %arg2[%dma_start3A_174, %dma_start3A_175] : memref<10000x128xf32, #tpu.memory_space<hbm>> -> memref<10000x128xf32, #tpu.memory_space<hbm>>
        tpu.enqueue_indirect_dma source(%dma_start3A_176 : memref<10000x128xf32, #tpu.memory_space<hbm>>) target(%arg15 : memref<128x128xf32, #tpu.memory_space<vmem>>) offsets(%arg7 : memref<128xi32, #tpu.memory_space<vmem>>) semaphore(%arg25 : memref<!tpu.dma_semaphore, #tpu.memory_space<semaphore_mem>>)
        %add3A_177 = arith.constant 3 : i32
        %add3A_178 = arith.addi %add3A_61, %add3A_177 : i32
        %add3A_179 = arith.constant 3 : i32
        %add3A_180 = arith.addi %add3A_178, %add3A_179 : i32
        %lt3A_181 = arith.constant 76 : i32
        %lt3A_182 = arith.cmpi slt, %add3A_61, %lt3A_181 : i32
        %convert_element_type3A_183 = arith.extui %lt3A_182 : i1 to i32
        %cond3A_184 = arith.constant 0 : i32
        %cond3A_185 = arith.cmpi ne, %convert_element_type3A_183, %cond3A_184 : i32
        scf.if %cond3A_185 {
          %mul3A_186 = arith.constant 128 : i32
          %mul3A_187 = arith.muli %add3A_180, %mul3A_186 : i32
          %add3A_188 = arith.addi %mul3A_8, %mul3A_187 : i32
          %dma_start3A_189 = tpu.memref_slice %arg3[%add3A_188] : memref<327680xi32, #tpu.memory_space<hbm>> -> memref<128xi32, #tpu.memory_space<hbm>>
          %dma_start3A_190 = tpu.memref_slice %arg3[%add3A_188] : memref<327680xi32, #tpu.memory_space<hbm>> -> memref<128xi32, #tpu.memory_space<hbm>>
          tpu.enqueue_dma source(%dma_start3A_190 : memref<128xi32, #tpu.memory_space<hbm>>) target(%arg9 : memref<128xi32, #tpu.memory_space<vmem>>) target_semaphore(%arg19 : memref<!tpu.dma_semaphore, #tpu.memory_space<semaphore_mem>>)
          %dma_start3A_191 = tpu.memref_slice %arg4[%add3A_188] : memref<327680xi32, #tpu.memory_space<hbm>> -> memref<128xi32, #tpu.memory_space<hbm>>
          %dma_start3A_192 = tpu.memref_slice %arg4[%add3A_188] : memref<327680xi32, #tpu.memory_space<hbm>> -> memref<128xi32, #tpu.memory_space<hbm>>
          tpu.enqueue_dma source(%dma_start3A_192 : memref<128xi32, #tpu.memory_space<hbm>>) target(%arg13 : memref<128xi32, #tpu.memory_space<vmem>>) target_semaphore(%arg23 : memref<!tpu.dma_semaphore, #tpu.memory_space<semaphore_mem>>)
        } else {
        }
      } else {
      }
    }
    %scan3A_39 = arith.constant 20 : i32
    %dma_wait3A_40 = arith.constant 0 : i32
    %dma_wait3A_41 = arith.constant 0 : i32
    %dma_wait3A_42 = tpu.memref_slice %arg29[%dma_wait3A_40, %dma_wait3A_41] : memref<10240x128xf32, #tpu.memory_space<vmem_shared>> -> memref<10240x128xf32, #tpu.memory_space<vmem_shared>>
    tpu.wait_indirect_dma semaphore(%arg27 : memref<!tpu.dma_semaphore, #tpu.memory_space<semaphore_mem>>) src(%arg15 : memref<128x128xf32, #tpu.memory_space<vmem>>) dst(%dma_wait3A_42 : memref<10240x128xf32, #tpu.memory_space<vmem_shared>>)
    %dma_wait3A_43 = arith.constant 0 : i32
    %dma_wait3A_44 = arith.constant 0 : i32
    %dma_wait3A_45 = tpu.memref_slice %arg29[%dma_wait3A_43, %dma_wait3A_44] : memref<10240x128xf32, #tpu.memory_space<vmem_shared>> -> memref<10240x128xf32, #tpu.memory_space<vmem_shared>>
    tpu.wait_indirect_dma semaphore(%arg28 : memref<!tpu.dma_semaphore, #tpu.memory_space<semaphore_mem>>) src(%arg16 : memref<128x128xf32, #tpu.memory_space<vmem>>) dst(%dma_wait3A_45 : memref<10240x128xf32, #tpu.memory_space<vmem_shared>>)
    %barrier3A_46 = arith.constant 0 : index
    tpu.barrier barrier_id(%barrier3A_46)
    %lt3A_47 = arith.constant 15 : i32
    %lt3A_48 = arith.cmpi slt, %arg1, %lt3A_47 : i32
    %convert_element_type3A_49 = arith.extui %lt3A_48 : i1 to i32
    %cond3A_50 = arith.constant 0 : i32
    %cond3A_51 = arith.cmpi ne, %convert_element_type3A_49, %cond3A_50 : i32
    scf.if %cond3A_51 {
      %mul3A_57 = arith.constant 624 : i32
      %mul3A_58 = arith.muli %arg1, %mul3A_57 : i32
      %mul3A_59 = arith.constant 624 : i32
      %mul3A_60 = arith.muli %arg1, %mul3A_59 : i32
      "tpu.region"() ({
        %run_scoped3A = tpu.sem_alloc : memref<!tpu.dma_semaphore, #tpu.memory_space<semaphore_mem>>
        %dma_start3A_61 = arith.constant 0 : i32
        %dma_start3A_62 = arith.constant 0 : i32
        %dma_start3A_63 = tpu.memref_slice %arg6[%arg0, %dma_start3A_61, %dma_start3A_62] : memref<2x10000x128xf32, #tpu.memory_space<hbm>> -> memref<1x10000x128xf32, #tpu.memory_space<hbm>>
        %dma_start3A_64 = tpu.memref_squeeze %dma_start3A_63 : memref<1x10000x128xf32, #tpu.memory_space<hbm>> -> memref<10000x128xf32, #tpu.memory_space<hbm>>
        %dma_start3A_65 = arith.constant 0 : i32
        %dma_start3A_66 = tpu.memref_slice %dma_start3A_64[%mul3A_60, %dma_start3A_65] : memref<10000x128xf32, #tpu.memory_space<hbm>> -> memref<624x128xf32, #tpu.memory_space<hbm>>
        %dma_start3A_67 = arith.constant 0 : i32
        %dma_start3A_68 = tpu.memref_slice %arg29[%mul3A_58, %dma_start3A_67] : memref<10240x128xf32, #tpu.memory_space<vmem_shared>> -> memref<624x128xf32, #tpu.memory_space<vmem_shared>>
        tpu.enqueue_dma source(%dma_start3A_68 : memref<624x128xf32, #tpu.memory_space<vmem_shared>>) target(%dma_start3A_66 : memref<624x128xf32, #tpu.memory_space<hbm>>) target_semaphore(%run_scoped3A : memref<!tpu.dma_semaphore, #tpu.memory_space<semaphore_mem>>)
        %dma_wait3A_69 = arith.constant 0 : i32
        %dma_wait3A_70 = arith.constant 0 : i32
        %dma_wait3A_71 = tpu.memref_slice %arg6[%arg0, %dma_wait3A_69, %dma_wait3A_70] : memref<2x10000x128xf32, #tpu.memory_space<hbm>> -> memref<1x10000x128xf32, #tpu.memory_space<hbm>>
        %dma_wait3A_72 = tpu.memref_squeeze %dma_wait3A_71 : memref<1x10000x128xf32, #tpu.memory_space<hbm>> -> memref<10000x128xf32, #tpu.memory_space<hbm>>
        %dma_wait3A_73 = arith.constant 0 : i32
        %dma_wait3A_74 = tpu.memref_slice %dma_wait3A_72[%mul3A_60, %dma_wait3A_73] : memref<10000x128xf32, #tpu.memory_space<hbm>> -> memref<624x128xf32, #tpu.memory_space<hbm>>
        %dma_wait3A_75 = arith.constant 0 : i32
        %dma_wait3A_76 = tpu.memref_slice %arg29[%mul3A_58, %dma_wait3A_75] : memref<10240x128xf32, #tpu.memory_space<vmem_shared>> -> memref<624x128xf32, #tpu.memory_space<vmem_shared>>
        tpu.wait_dma2 semaphore(%run_scoped3A : memref<!tpu.dma_semaphore, #tpu.memory_space<semaphore_mem>>) src(%dma_wait3A_76 : memref<624x128xf32, #tpu.memory_space<vmem_shared>>) dst(%dma_wait3A_74 : memref<624x128xf32, #tpu.memory_space<hbm>>)
        tpu.yield
      }) : () -> ()
    } else {
    }
    %eq3A_52 = arith.constant 15 : i32
    %eq3A_53 = arith.cmpi eq, %arg1, %eq3A_52 : i32
    %convert_element_type3A_54 = arith.extui %eq3A_53 : i1 to i32
    %cond3A_55 = arith.constant 0 : i32
    %cond3A_56 = arith.cmpi ne, %convert_element_type3A_54, %cond3A_55 : i32
    scf.if %cond3A_56 {
      "tpu.region"() ({
        %run_scoped3A = tpu.sem_alloc : memref<!tpu.dma_semaphore, #tpu.memory_space<semaphore_mem>>
        %dma_start3A_57 = arith.constant 0 : i32
        %dma_start3A_58 = arith.constant 0 : i32
        %dma_start3A_59 = tpu.memref_slice %arg6[%arg0, %dma_start3A_57, %dma_start3A_58] : memref<2x10000x128xf32, #tpu.memory_space<hbm>> -> memref<1x10000x128xf32, #tpu.memory_space<hbm>>
        %dma_start3A_60 = tpu.memref_squeeze %dma_start3A_59 : memref<1x10000x128xf32, #tpu.memory_space<hbm>> -> memref<10000x128xf32, #tpu.memory_space<hbm>>
        %dma_start3A_61 = arith.constant 9360 : i32
        %dma_start3A_62 = arith.constant 0 : i32
        %dma_start3A_63 = tpu.memref_slice %dma_start3A_60[%dma_start3A_61, %dma_start3A_62] : memref<10000x128xf32, #tpu.memory_space<hbm>> -> memref<640x128xf32, #tpu.memory_space<hbm>>
        %dma_start3A_64 = arith.constant 9360 : i32
        %dma_start3A_65 = arith.constant 0 : i32
        %dma_start3A_66 = tpu.memref_slice %arg29[%dma_start3A_64, %dma_start3A_65] : memref<10240x128xf32, #tpu.memory_space<vmem_shared>> -> memref<640x128xf32, #tpu.memory_space<vmem_shared>>
        tpu.enqueue_dma source(%dma_start3A_66 : memref<640x128xf32, #tpu.memory_space<vmem_shared>>) target(%dma_start3A_63 : memref<640x128xf32, #tpu.memory_space<hbm>>) target_semaphore(%run_scoped3A : memref<!tpu.dma_semaphore, #tpu.memory_space<semaphore_mem>>)
        %dma_wait3A_67 = arith.constant 0 : i32
        %dma_wait3A_68 = arith.constant 0 : i32
        %dma_wait3A_69 = tpu.memref_slice %arg6[%arg0, %dma_wait3A_67, %dma_wait3A_68] : memref<2x10000x128xf32, #tpu.memory_space<hbm>> -> memref<1x10000x128xf32, #tpu.memory_space<hbm>>
        %dma_wait3A_70 = tpu.memref_squeeze %dma_wait3A_69 : memref<1x10000x128xf32, #tpu.memory_space<hbm>> -> memref<10000x128xf32, #tpu.memory_space<hbm>>
        %dma_wait3A_71 = arith.constant 9360 : i32
        %dma_wait3A_72 = arith.constant 0 : i32
        %dma_wait3A_73 = tpu.memref_slice %dma_wait3A_70[%dma_wait3A_71, %dma_wait3A_72] : memref<10000x128xf32, #tpu.memory_space<hbm>> -> memref<640x128xf32, #tpu.memory_space<hbm>>
        %dma_wait3A_74 = arith.constant 9360 : i32
        %dma_wait3A_75 = arith.constant 0 : i32
        %dma_wait3A_76 = tpu.memref_slice %arg29[%dma_wait3A_74, %dma_wait3A_75] : memref<10240x128xf32, #tpu.memory_space<vmem_shared>> -> memref<640x128xf32, #tpu.memory_space<vmem_shared>>
        tpu.wait_dma2 semaphore(%run_scoped3A : memref<!tpu.dma_semaphore, #tpu.memory_space<semaphore_mem>>) src(%dma_wait3A_76 : memref<640x128xf32, #tpu.memory_space<vmem_shared>>) dst(%dma_wait3A_73 : memref<640x128xf32, #tpu.memory_space<hbm>>)
        tpu.yield
      }) : () -> ()
    } else {
    }
    return
  }
}

#map = affine_map<(d0, d1) -> (0, 0)>
#map1 = affine_map<(d0, d1) -> (0)>
#map2 = affine_map<(d0, d1) -> (0, 0, 0)>
module attributes {stable_mosaic.version = 14 : i64} {
  func.func @agg_kernel(%arg0: i32, %arg1: i32, %arg2: memref<10000x128xf32, #tpu.memory_space<hbm>>, %arg3: memref<327680xi32, #tpu.memory_space<hbm>>, %arg4: memref<327680xi32, #tpu.memory_space<hbm>>, %arg5: memref<640x128xf32, #tpu.memory_space<hbm>>, %arg6: memref<2x10000x128xf32, #tpu.memory_space<hbm>>, %arg7: memref<128xi32, #tpu.memory_space<vmem>>, %arg8: memref<128xi32, #tpu.memory_space<vmem>>, %arg9: memref<128xi32, #tpu.memory_space<vmem>>, %arg10: memref<128xi32, #tpu.memory_space<vmem>>, %arg11: memref<128xi32, #tpu.memory_space<vmem>>, %arg12: memref<128xi32, #tpu.memory_space<vmem>>, %arg13: memref<128xi32, #tpu.memory_space<vmem>>, %arg14: memref<128xi32, #tpu.memory_space<vmem>>, %arg15: memref<128x128xf32, #tpu.memory_space<vmem>>, %arg16: memref<128x128xf32, #tpu.memory_space<vmem>>, %arg17: memref<!tpu.dma_semaphore, #tpu.memory_space<semaphore_mem>>, %arg18: memref<!tpu.dma_semaphore, #tpu.memory_space<semaphore_mem>>, %arg19: memref<!tpu.dma_semaphore, #tpu.memory_space<semaphore_mem>>, %arg20: memref<!tpu.dma_semaphore, #tpu.memory_space<semaphore_mem>>, %arg21: memref<!tpu.dma_semaphore, #tpu.memory_space<semaphore_mem>>, %arg22: memref<!tpu.dma_semaphore, #tpu.memory_space<semaphore_mem>>, %arg23: memref<!tpu.dma_semaphore, #tpu.memory_space<semaphore_mem>>, %arg24: memref<!tpu.dma_semaphore, #tpu.memory_space<semaphore_mem>>, %arg25: memref<!tpu.dma_semaphore, #tpu.memory_space<semaphore_mem>>, %arg26: memref<!tpu.dma_semaphore, #tpu.memory_space<semaphore_mem>>, %arg27: memref<!tpu.dma_semaphore, #tpu.memory_space<semaphore_mem>>, %arg28: memref<!tpu.dma_semaphore, #tpu.memory_space<semaphore_mem>>, %arg29: memref<10240x128xf32, #tpu.memory_space<vmem_shared>>) attributes {dimension_semantics = [#tpu.dimension_semantics<core_parallel>, #tpu.dimension_semantics<subcore_parallel>], iteration_bounds = array<i64: 2, 16>, scalar_prefetch = 0 : i64, scratch_operands = 23 : i64, tpu.core_type = #tpu.core_type<sc_vector_subcore>, window_params = [{transform_indices = #map}, {transform_indices = #map1}, {transform_indices = #map1}, {transform_indices = #map}, {transform_indices = #map2}]} {
    %mul3A = arith.constant 2 : i32
    %mul3A_0 = arith.muli %arg1, %mul3A : i32
    %add3A = arith.addi %mul3A_0, %arg0 : i32
    %lt3A = arith.constant 15 : i32
    %lt3A_1 = arith.cmpi slt, %arg1, %lt3A : i32
    %convert_element_type3A = arith.extui %lt3A_1 : i1 to i32
    %cond3A = arith.constant 0 : i32
    %cond3A_2 = arith.cmpi ne, %convert_element_type3A, %cond3A : i32
    scf.if %cond3A_2 {
      %mul3A_57 = arith.constant 624 : i32
      %mul3A_58 = arith.muli %arg1, %mul3A_57 : i32
      "tpu.region"() ({
        %run_scoped3A = tpu.sem_alloc : memref<!tpu.dma_semaphore, #tpu.memory_space<semaphore_mem>>
        %dma_start3A_59 = arith.constant 0 : i32
        %dma_start3A_60 = tpu.memref_slice %arg29[%mul3A_58, %dma_start3A_59] : memref<10240x128xf32, #tpu.memory_space<vmem_shared>> -> memref<624x128xf32, #tpu.memory_space<vmem_shared>>
        %dma_start3A_61 = arith.constant 0 : i32
        %dma_start3A_62 = arith.constant 0 : i32
        %dma_start3A_63 = tpu.memref_slice %arg5[%dma_start3A_61, %dma_start3A_62] : memref<640x128xf32, #tpu.memory_space<hbm>> -> memref<624x128xf32, #tpu.memory_space<hbm>>
        tpu.enqueue_dma source(%dma_start3A_63 : memref<624x128xf32, #tpu.memory_space<hbm>>) target(%dma_start3A_60 : memref<624x128xf32, #tpu.memory_space<vmem_shared>>) target_semaphore(%run_scoped3A : memref<!tpu.dma_semaphore, #tpu.memory_space<semaphore_mem>>)
        %dma_wait3A_64 = arith.constant 0 : i32
        %dma_wait3A_65 = tpu.memref_slice %arg29[%mul3A_58, %dma_wait3A_64] : memref<10240x128xf32, #tpu.memory_space<vmem_shared>> -> memref<624x128xf32, #tpu.memory_space<vmem_shared>>
        %dma_wait3A_66 = arith.constant 0 : i32
        %dma_wait3A_67 = arith.constant 0 : i32
        %dma_wait3A_68 = tpu.memref_slice %arg5[%dma_wait3A_66, %dma_wait3A_67] : memref<640x128xf32, #tpu.memory_space<hbm>> -> memref<624x128xf32, #tpu.memory_space<hbm>>
        tpu.wait_dma2 semaphore(%run_scoped3A : memref<!tpu.dma_semaphore, #tpu.memory_space<semaphore_mem>>) src(%dma_wait3A_68 : memref<624x128xf32, #tpu.memory_space<hbm>>) dst(%dma_wait3A_65 : memref<624x128xf32, #tpu.memory_space<vmem_shared>>)
        tpu.yield
      }) : () -> ()
    } else {
    }
    %eq3A = arith.constant 15 : i32
    %eq3A_3 = arith.cmpi eq, %arg1, %eq3A : i32
    %convert_element_type3A_4 = arith.extui %eq3A_3 : i1 to i32
    %cond3A_5 = arith.constant 0 : i32
    %cond3A_6 = arith.cmpi ne, %convert_element_type3A_4, %cond3A_5 : i32
    scf.if %cond3A_6 {
      "tpu.region"() ({
        %run_scoped3A = tpu.sem_alloc : memref<!tpu.dma_semaphore, #tpu.memory_space<semaphore_mem>>
        %dma_start3A_57 = arith.constant 9360 : i32
        %dma_start3A_58 = arith.constant 0 : i32
        %dma_start3A_59 = tpu.memref_slice %arg29[%dma_start3A_57, %dma_start3A_58] : memref<10240x128xf32, #tpu.memory_space<vmem_shared>> -> memref<640x128xf32, #tpu.memory_space<vmem_shared>>
        tpu.enqueue_dma source(%arg5 : memref<640x128xf32, #tpu.memory_space<hbm>>) target(%dma_start3A_59 : memref<640x128xf32, #tpu.memory_space<vmem_shared>>) target_semaphore(%run_scoped3A : memref<!tpu.dma_semaphore, #tpu.memory_space<semaphore_mem>>)
        %dma_wait3A_60 = arith.constant 9360 : i32
        %dma_wait3A_61 = arith.constant 0 : i32
        %dma_wait3A_62 = tpu.memref_slice %arg29[%dma_wait3A_60, %dma_wait3A_61] : memref<10240x128xf32, #tpu.memory_space<vmem_shared>> -> memref<640x128xf32, #tpu.memory_space<vmem_shared>>
        tpu.wait_dma2 semaphore(%run_scoped3A : memref<!tpu.dma_semaphore, #tpu.memory_space<semaphore_mem>>) src(%arg5 : memref<640x128xf32, #tpu.memory_space<hbm>>) dst(%dma_wait3A_62 : memref<640x128xf32, #tpu.memory_space<vmem_shared>>)
        tpu.yield
      }) : () -> ()
    } else {
    }
    %barrier3A = arith.constant 0 : index
    tpu.barrier barrier_id(%barrier3A)
    %mul3A_7 = arith.constant 10240 : i32
    %mul3A_8 = arith.muli %add3A, %mul3A_7 : i32
    %add3A_9 = arith.constant 0 : i32
    %add3A_10 = arith.addi %mul3A_8, %add3A_9 : i32
    %dma_start3A = tpu.memref_slice %arg3[%add3A_10] : memref<327680xi32, #tpu.memory_space<hbm>> -> memref<128xi32, #tpu.memory_space<hbm>>
    %dma_start3A_11 = tpu.memref_slice %arg3[%add3A_10] : memref<327680xi32, #tpu.memory_space<hbm>> -> memref<128xi32, #tpu.memory_space<hbm>>
    tpu.enqueue_dma source(%dma_start3A_11 : memref<128xi32, #tpu.memory_space<hbm>>) target(%arg7 : memref<128xi32, #tpu.memory_space<vmem>>) target_semaphore(%arg17 : memref<!tpu.dma_semaphore, #tpu.memory_space<semaphore_mem>>)
    %dma_start3A_12 = tpu.memref_slice %arg4[%add3A_10] : memref<327680xi32, #tpu.memory_space<hbm>> -> memref<128xi32, #tpu.memory_space<hbm>>
    %dma_start3A_13 = tpu.memref_slice %arg4[%add3A_10] : memref<327680xi32, #tpu.memory_space<hbm>> -> memref<128xi32, #tpu.memory_space<hbm>>
    tpu.enqueue_dma source(%dma_start3A_13 : memref<128xi32, #tpu.memory_space<hbm>>) target(%arg11 : memref<128xi32, #tpu.memory_space<vmem>>) target_semaphore(%arg21 : memref<!tpu.dma_semaphore, #tpu.memory_space<semaphore_mem>>)
    %add3A_14 = arith.constant 128 : i32
    %add3A_15 = arith.addi %mul3A_8, %add3A_14 : i32
    %dma_start3A_16 = tpu.memref_slice %arg3[%add3A_15] : memref<327680xi32, #tpu.memory_space<hbm>> -> memref<128xi32, #tpu.memory_space<hbm>>
    %dma_start3A_17 = tpu.memref_slice %arg3[%add3A_15] : memref<327680xi32, #tpu.memory_space<hbm>> -> memref<128xi32, #tpu.memory_space<hbm>>
    tpu.enqueue_dma source(%dma_start3A_17 : memref<128xi32, #tpu.memory_space<hbm>>) target(%arg8 : memref<128xi32, #tpu.memory_space<vmem>>) target_semaphore(%arg18 : memref<!tpu.dma_semaphore, #tpu.memory_space<semaphore_mem>>)
    %dma_start3A_18 = tpu.memref_slice %arg4[%add3A_15] : memref<327680xi32, #tpu.memory_space<hbm>> -> memref<128xi32, #tpu.memory_space<hbm>>
    %dma_start3A_19 = tpu.memref_slice %arg4[%add3A_15] : memref<327680xi32, #tpu.memory_space<hbm>> -> memref<128xi32, #tpu.memory_space<hbm>>
    tpu.enqueue_dma source(%dma_start3A_19 : memref<128xi32, #tpu.memory_space<hbm>>) target(%arg12 : memref<128xi32, #tpu.memory_space<vmem>>) target_semaphore(%arg22 : memref<!tpu.dma_semaphore, #tpu.memory_space<semaphore_mem>>)
    %add3A_20 = arith.constant 256 : i32
    %add3A_21 = arith.addi %mul3A_8, %add3A_20 : i32
    %dma_start3A_22 = tpu.memref_slice %arg3[%add3A_21] : memref<327680xi32, #tpu.memory_space<hbm>> -> memref<128xi32, #tpu.memory_space<hbm>>
    %dma_start3A_23 = tpu.memref_slice %arg3[%add3A_21] : memref<327680xi32, #tpu.memory_space<hbm>> -> memref<128xi32, #tpu.memory_space<hbm>>
    tpu.enqueue_dma source(%dma_start3A_23 : memref<128xi32, #tpu.memory_space<hbm>>) target(%arg9 : memref<128xi32, #tpu.memory_space<vmem>>) target_semaphore(%arg19 : memref<!tpu.dma_semaphore, #tpu.memory_space<semaphore_mem>>)
    %dma_start3A_24 = tpu.memref_slice %arg4[%add3A_21] : memref<327680xi32, #tpu.memory_space<hbm>> -> memref<128xi32, #tpu.memory_space<hbm>>
    %dma_start3A_25 = tpu.memref_slice %arg4[%add3A_21] : memref<327680xi32, #tpu.memory_space<hbm>> -> memref<128xi32, #tpu.memory_space<hbm>>
    tpu.enqueue_dma source(%dma_start3A_25 : memref<128xi32, #tpu.memory_space<hbm>>) target(%arg13 : memref<128xi32, #tpu.memory_space<vmem>>) target_semaphore(%arg23 : memref<!tpu.dma_semaphore, #tpu.memory_space<semaphore_mem>>)
    %dma_wait3A = arith.constant 0 : i32
    %dma_wait3A_26 = tpu.memref_slice %arg3[%dma_wait3A] : memref<327680xi32, #tpu.memory_space<hbm>> -> memref<128xi32, #tpu.memory_space<hbm>>
    %dma_wait3A_27 = arith.constant 0 : i32
    %dma_wait3A_28 = tpu.memref_slice %arg3[%dma_wait3A_27] : memref<327680xi32, #tpu.memory_space<hbm>> -> memref<128xi32, #tpu.memory_space<hbm>>
    tpu.wait_dma2 semaphore(%arg17 : memref<!tpu.dma_semaphore, #tpu.memory_space<semaphore_mem>>) src(%dma_wait3A_28 : memref<128xi32, #tpu.memory_space<hbm>>) dst(%arg7 : memref<128xi32, #tpu.memory_space<vmem>>)
    %dma_wait3A_29 = arith.constant 0 : i32
    %dma_wait3A_30 = tpu.memref_slice %arg4[%dma_wait3A_29] : memref<327680xi32, #tpu.memory_space<hbm>> -> memref<128xi32, #tpu.memory_space<hbm>>
    %dma_wait3A_31 = arith.constant 0 : i32
    %dma_wait3A_32 = tpu.memref_slice %arg4[%dma_wait3A_31] : memref<327680xi32, #tpu.memory_space<hbm>> -> memref<128xi32, #tpu.memory_space<hbm>>
    tpu.wait_dma2 semaphore(%arg21 : memref<!tpu.dma_semaphore, #tpu.memory_space<semaphore_mem>>) src(%dma_wait3A_32 : memref<128xi32, #tpu.memory_space<hbm>>) dst(%arg11 : memref<128xi32, #tpu.memory_space<vmem>>)
    %dma_start3A_33 = arith.constant 0 : i32
    %dma_start3A_34 = arith.constant 0 : i32
    %dma_start3A_35 = tpu.memref_slice %arg2[%dma_start3A_33, %dma_start3A_34] : memref<10000x128xf32, #tpu.memory_space<hbm>> -> memref<10000x128xf32, #tpu.memory_space<hbm>>
    tpu.enqueue_indirect_dma source(%dma_start3A_35 : memref<10000x128xf32, #tpu.memory_space<hbm>>) target(%arg15 : memref<128x128xf32, #tpu.memory_space<vmem>>) offsets(%arg7 : memref<128xi32, #tpu.memory_space<vmem>>) semaphore(%arg25 : memref<!tpu.dma_semaphore, #tpu.memory_space<semaphore_mem>>)
    %scan3A = arith.constant 0 : i32
    %scan3A_36 = arith.constant 20 : i32
    %scan3A_37 = arith.addi %scan3A, %scan3A_36 : i32
    %scan3A_38 = arith.constant 1 : i32
    scf.for %scan3A_57 = %scan3A to %scan3A_37 step %scan3A_38  : i32 {
      %mul3A_58 = arith.constant 4 : i32
      %mul3A_59 = arith.muli %scan3A_57, %mul3A_58 : i32
      %add3A_60 = arith.constant 0 : i32
      %add3A_61 = arith.addi %add3A_60, %mul3A_59 : i32
      %dma_wait3A_62 = arith.constant 0 : i32
      %dma_wait3A_63 = arith.constant 0 : i32
      %dma_wait3A_64 = tpu.memref_slice %arg2[%dma_wait3A_62, %dma_wait3A_63] : memref<10000x128xf32, #tpu.memory_space<hbm>> -> memref<10000x128xf32, #tpu.memory_space<hbm>>
      tpu.wait_indirect_dma semaphore(%arg25 : memref<!tpu.dma_semaphore, #tpu.memory_space<semaphore_mem>>) src(%dma_wait3A_64 : memref<10000x128xf32, #tpu.memory_space<hbm>>) dst(%arg15 : memref<128x128xf32, #tpu.memory_space<vmem>>)
      %dma_start3A_65 = arith.constant 0 : i32
      %dma_start3A_66 = arith.constant 0 : i32
      %dma_start3A_67 = tpu.memref_slice %arg29[%dma_start3A_65, %dma_start3A_66] : memref<10240x128xf32, #tpu.memory_space<vmem_shared>> -> memref<10240x128xf32, #tpu.memory_space<vmem_shared>>
      tpu.enqueue_indirect_dma source(%arg15 : memref<128x128xf32, #tpu.memory_space<vmem>>) target(%dma_start3A_67 : memref<10240x128xf32, #tpu.memory_space<vmem_shared>>) offsets(%arg11 : memref<128xi32, #tpu.memory_space<vmem>>) semaphore(%arg27 : memref<!tpu.dma_semaphore, #tpu.memory_space<semaphore_mem>>) {add = true}
      %dma_wait3A_68 = arith.constant 0 : i32
      %dma_wait3A_69 = tpu.memref_slice %arg3[%dma_wait3A_68] : memref<327680xi32, #tpu.memory_space<hbm>> -> memref<128xi32, #tpu.memory_space<hbm>>
      %dma_wait3A_70 = arith.constant 0 : i32
      %dma_wait3A_71 = tpu.memref_slice %arg3[%dma_wait3A_70] : memref<327680xi32, #tpu.memory_space<hbm>> -> memref<128xi32, #tpu.memory_space<hbm>>
      tpu.wait_dma2 semaphore(%arg18 : memref<!tpu.dma_semaphore, #tpu.memory_space<semaphore_mem>>) src(%dma_wait3A_71 : memref<128xi32, #tpu.memory_space<hbm>>) dst(%arg8 : memref<128xi32, #tpu.memory_space<vmem>>)
      %dma_wait3A_72 = arith.constant 0 : i32
      %dma_wait3A_73 = tpu.memref_slice %arg4[%dma_wait3A_72] : memref<327680xi32, #tpu.memory_space<hbm>> -> memref<128xi32, #tpu.memory_space<hbm>>
      %dma_wait3A_74 = arith.constant 0 : i32
      %dma_wait3A_75 = tpu.memref_slice %arg4[%dma_wait3A_74] : memref<327680xi32, #tpu.memory_space<hbm>> -> memref<128xi32, #tpu.memory_space<hbm>>
      tpu.wait_dma2 semaphore(%arg22 : memref<!tpu.dma_semaphore, #tpu.memory_space<semaphore_mem>>) src(%dma_wait3A_75 : memref<128xi32, #tpu.memory_space<hbm>>) dst(%arg12 : memref<128xi32, #tpu.memory_space<vmem>>)
      %gt3A = arith.constant 0 : i32
      %gt3A_76 = arith.cmpi sgt, %add3A_61, %gt3A : i32
      %convert_element_type3A_77 = arith.extui %gt3A_76 : i1 to i32
      %cond3A_78 = arith.constant 0 : i32
      %cond3A_79 = arith.cmpi ne, %convert_element_type3A_77, %cond3A_78 : i32
      scf.if %cond3A_79 {
        %dma_wait3A_163 = arith.constant 0 : i32
        %dma_wait3A_164 = arith.constant 0 : i32
        %dma_wait3A_165 = tpu.memref_slice %arg29[%dma_wait3A_163, %dma_wait3A_164] : memref<10240x128xf32, #tpu.memory_space<vmem_shared>> -> memref<10240x128xf32, #tpu.memory_space<vmem_shared>>
        tpu.wait_indirect_dma semaphore(%arg28 : memref<!tpu.dma_semaphore, #tpu.memory_space<semaphore_mem>>) src(%arg16 : memref<128x128xf32, #tpu.memory_space<vmem>>) dst(%dma_wait3A_165 : memref<10240x128xf32, #tpu.memory_space<vmem_shared>>)
      } else {
      }
      %dma_start3A_80 = arith.constant 0 : i32
      %dma_start3A_81 = arith.constant 0 : i32
      %dma_start3A_82 = tpu.memref_slice %arg2[%dma_start3A_80, %dma_start3A_81] : memref<10000x128xf32, #tpu.memory_space<hbm>> -> memref<10000x128xf32, #tpu.memory_space<hbm>>
      tpu.enqueue_indirect_dma source(%dma_start3A_82 : memref<10000x128xf32, #tpu.memory_space<hbm>>) target(%arg16 : memref<128x128xf32, #tpu.memory_space<vmem>>) offsets(%arg8 : memref<128xi32, #tpu.memory_space<vmem>>) semaphore(%arg26 : memref<!tpu.dma_semaphore, #tpu.memory_space<semaphore_mem>>)
      %add3A_83 = arith.constant 0 : i32
      %add3A_84 = arith.addi %add3A_61, %add3A_83 : i32
      %add3A_85 = arith.constant 3 : i32
      %add3A_86 = arith.addi %add3A_84, %add3A_85 : i32
      %mul3A_87 = arith.constant 128 : i32
      %mul3A_88 = arith.muli %add3A_86, %mul3A_87 : i32
      %add3A_89 = arith.addi %mul3A_8, %mul3A_88 : i32
      %dma_start3A_90 = tpu.memref_slice %arg3[%add3A_89] : memref<327680xi32, #tpu.memory_space<hbm>> -> memref<128xi32, #tpu.memory_space<hbm>>
      %dma_start3A_91 = tpu.memref_slice %arg3[%add3A_89] : memref<327680xi32, #tpu.memory_space<hbm>> -> memref<128xi32, #tpu.memory_space<hbm>>
      tpu.enqueue_dma source(%dma_start3A_91 : memref<128xi32, #tpu.memory_space<hbm>>) target(%arg10 : memref<128xi32, #tpu.memory_space<vmem>>) target_semaphore(%arg20 : memref<!tpu.dma_semaphore, #tpu.memory_space<semaphore_mem>>)
      %dma_start3A_92 = tpu.memref_slice %arg4[%add3A_89] : memref<327680xi32, #tpu.memory_space<hbm>> -> memref<128xi32, #tpu.memory_space<hbm>>
      %dma_start3A_93 = tpu.memref_slice %arg4[%add3A_89] : memref<327680xi32, #tpu.memory_space<hbm>> -> memref<128xi32, #tpu.memory_space<hbm>>
      tpu.enqueue_dma source(%dma_start3A_93 : memref<128xi32, #tpu.memory_space<hbm>>) target(%arg14 : memref<128xi32, #tpu.memory_space<vmem>>) target_semaphore(%arg24 : memref<!tpu.dma_semaphore, #tpu.memory_space<semaphore_mem>>)
      %dma_wait3A_94 = arith.constant 0 : i32
      %dma_wait3A_95 = arith.constant 0 : i32
      %dma_wait3A_96 = tpu.memref_slice %arg2[%dma_wait3A_94, %dma_wait3A_95] : memref<10000x128xf32, #tpu.memory_space<hbm>> -> memref<10000x128xf32, #tpu.memory_space<hbm>>
      tpu.wait_indirect_dma semaphore(%arg26 : memref<!tpu.dma_semaphore, #tpu.memory_space<semaphore_mem>>) src(%dma_wait3A_96 : memref<10000x128xf32, #tpu.memory_space<hbm>>) dst(%arg16 : memref<128x128xf32, #tpu.memory_space<vmem>>)
      %dma_start3A_97 = arith.constant 0 : i32
      %dma_start3A_98 = arith.constant 0 : i32
      %dma_start3A_99 = tpu.memref_slice %arg29[%dma_start3A_97, %dma_start3A_98] : memref<10240x128xf32, #tpu.memory_space<vmem_shared>> -> memref<10240x128xf32, #tpu.memory_space<vmem_shared>>
      tpu.enqueue_indirect_dma source(%arg16 : memref<128x128xf32, #tpu.memory_space<vmem>>) target(%dma_start3A_99 : memref<10240x128xf32, #tpu.memory_space<vmem_shared>>) offsets(%arg12 : memref<128xi32, #tpu.memory_space<vmem>>) semaphore(%arg28 : memref<!tpu.dma_semaphore, #tpu.memory_space<semaphore_mem>>) {add = true}
      %dma_wait3A_100 = arith.constant 0 : i32
      %dma_wait3A_101 = tpu.memref_slice %arg3[%dma_wait3A_100] : memref<327680xi32, #tpu.memory_space<hbm>> -> memref<128xi32, #tpu.memory_space<hbm>>
      %dma_wait3A_102 = arith.constant 0 : i32
      %dma_wait3A_103 = tpu.memref_slice %arg3[%dma_wait3A_102] : memref<327680xi32, #tpu.memory_space<hbm>> -> memref<128xi32, #tpu.memory_space<hbm>>
      tpu.wait_dma2 semaphore(%arg19 : memref<!tpu.dma_semaphore, #tpu.memory_space<semaphore_mem>>) src(%dma_wait3A_103 : memref<128xi32, #tpu.memory_space<hbm>>) dst(%arg9 : memref<128xi32, #tpu.memory_space<vmem>>)
      %dma_wait3A_104 = arith.constant 0 : i32
      %dma_wait3A_105 = tpu.memref_slice %arg4[%dma_wait3A_104] : memref<327680xi32, #tpu.memory_space<hbm>> -> memref<128xi32, #tpu.memory_space<hbm>>
      %dma_wait3A_106 = arith.constant 0 : i32
      %dma_wait3A_107 = tpu.memref_slice %arg4[%dma_wait3A_106] : memref<327680xi32, #tpu.memory_space<hbm>> -> memref<128xi32, #tpu.memory_space<hbm>>
      tpu.wait_dma2 semaphore(%arg23 : memref<!tpu.dma_semaphore, #tpu.memory_space<semaphore_mem>>) src(%dma_wait3A_107 : memref<128xi32, #tpu.memory_space<hbm>>) dst(%arg13 : memref<128xi32, #tpu.memory_space<vmem>>)
      %dma_wait3A_108 = arith.constant 0 : i32
      %dma_wait3A_109 = arith.constant 0 : i32
      %dma_wait3A_110 = tpu.memref_slice %arg29[%dma_wait3A_108, %dma_wait3A_109] : memref<10240x128xf32, #tpu.memory_space<vmem_shared>> -> memref<10240x128xf32, #tpu.memory_space<vmem_shared>>
      tpu.wait_indirect_dma semaphore(%arg27 : memref<!tpu.dma_semaphore, #tpu.memory_space<semaphore_mem>>) src(%arg15 : memref<128x128xf32, #tpu.memory_space<vmem>>) dst(%dma_wait3A_110 : memref<10240x128xf32, #tpu.memory_space<vmem_shared>>)
      %dma_start3A_111 = arith.constant 0 : i32
      %dma_start3A_112 = arith.constant 0 : i32
      %dma_start3A_113 = tpu.memref_slice %arg2[%dma_start3A_111, %dma_start3A_112] : memref<10000x128xf32, #tpu.memory_space<hbm>> -> memref<10000x128xf32, #tpu.memory_space<hbm>>
      tpu.enqueue_indirect_dma source(%dma_start3A_113 : memref<10000x128xf32, #tpu.memory_space<hbm>>) target(%arg15 : memref<128x128xf32, #tpu.memory_space<vmem>>) offsets(%arg9 : memref<128xi32, #tpu.memory_space<vmem>>) semaphore(%arg25 : memref<!tpu.dma_semaphore, #tpu.memory_space<semaphore_mem>>)
      %add3A_114 = arith.constant 1 : i32
      %add3A_115 = arith.addi %add3A_61, %add3A_114 : i32
      %add3A_116 = arith.constant 3 : i32
      %add3A_117 = arith.addi %add3A_115, %add3A_116 : i32
      %lt3A_118 = arith.constant 76 : i32
      %lt3A_119 = arith.cmpi slt, %add3A_61, %lt3A_118 : i32
      %convert_element_type3A_120 = arith.extui %lt3A_119 : i1 to i32
      %cond3A_121 = arith.constant 0 : i32
      %cond3A_122 = arith.cmpi ne, %convert_element_type3A_120, %cond3A_121 : i32
      scf.if %cond3A_122 {
        %mul3A_163 = arith.constant 128 : i32
        %mul3A_164 = arith.muli %add3A_117, %mul3A_163 : i32
        %add3A_165 = arith.addi %mul3A_8, %mul3A_164 : i32
        %dma_start3A_166 = tpu.memref_slice %arg3[%add3A_165] : memref<327680xi32, #tpu.memory_space<hbm>> -> memref<128xi32, #tpu.memory_space<hbm>>
        %dma_start3A_167 = tpu.memref_slice %arg3[%add3A_165] : memref<327680xi32, #tpu.memory_space<hbm>> -> memref<128xi32, #tpu.memory_space<hbm>>
        tpu.enqueue_dma source(%dma_start3A_167 : memref<128xi32, #tpu.memory_space<hbm>>) target(%arg7 : memref<128xi32, #tpu.memory_space<vmem>>) target_semaphore(%arg17 : memref<!tpu.dma_semaphore, #tpu.memory_space<semaphore_mem>>)
        %dma_start3A_168 = tpu.memref_slice %arg4[%add3A_165] : memref<327680xi32, #tpu.memory_space<hbm>> -> memref<128xi32, #tpu.memory_space<hbm>>
        %dma_start3A_169 = tpu.memref_slice %arg4[%add3A_165] : memref<327680xi32, #tpu.memory_space<hbm>> -> memref<128xi32, #tpu.memory_space<hbm>>
        tpu.enqueue_dma source(%dma_start3A_169 : memref<128xi32, #tpu.memory_space<hbm>>) target(%arg11 : memref<128xi32, #tpu.memory_space<vmem>>) target_semaphore(%arg21 : memref<!tpu.dma_semaphore, #tpu.memory_space<semaphore_mem>>)
      } else {
      }
      %dma_wait3A_123 = arith.constant 0 : i32
      %dma_wait3A_124 = arith.constant 0 : i32
      %dma_wait3A_125 = tpu.memref_slice %arg2[%dma_wait3A_123, %dma_wait3A_124] : memref<10000x128xf32, #tpu.memory_space<hbm>> -> memref<10000x128xf32, #tpu.memory_space<hbm>>
      tpu.wait_indirect_dma semaphore(%arg25 : memref<!tpu.dma_semaphore, #tpu.memory_space<semaphore_mem>>) src(%dma_wait3A_125 : memref<10000x128xf32, #tpu.memory_space<hbm>>) dst(%arg15 : memref<128x128xf32, #tpu.memory_space<vmem>>)
      %dma_start3A_126 = arith.constant 0 : i32
      %dma_start3A_127 = arith.constant 0 : i32
      %dma_start3A_128 = tpu.memref_slice %arg29[%dma_start3A_126, %dma_start3A_127] : memref<10240x128xf32, #tpu.memory_space<vmem_shared>> -> memref<10240x128xf32, #tpu.memory_space<vmem_shared>>
      tpu.enqueue_indirect_dma source(%arg15 : memref<128x128xf32, #tpu.memory_space<vmem>>) target(%dma_start3A_128 : memref<10240x128xf32, #tpu.memory_space<vmem_shared>>) offsets(%arg13 : memref<128xi32, #tpu.memory_space<vmem>>) semaphore(%arg27 : memref<!tpu.dma_semaphore, #tpu.memory_space<semaphore_mem>>) {add = true}
      %dma_wait3A_129 = arith.constant 0 : i32
      %dma_wait3A_130 = tpu.memref_slice %arg3[%dma_wait3A_129] : memref<327680xi32, #tpu.memory_space<hbm>> -> memref<128xi32, #tpu.memory_space<hbm>>
      %dma_wait3A_131 = arith.constant 0 : i32
      %dma_wait3A_132 = tpu.memref_slice %arg3[%dma_wait3A_131] : memref<327680xi32, #tpu.memory_space<hbm>> -> memref<128xi32, #tpu.memory_space<hbm>>
      tpu.wait_dma2 semaphore(%arg20 : memref<!tpu.dma_semaphore, #tpu.memory_space<semaphore_mem>>) src(%dma_wait3A_132 : memref<128xi32, #tpu.memory_space<hbm>>) dst(%arg10 : memref<128xi32, #tpu.memory_space<vmem>>)
      %dma_wait3A_133 = arith.constant 0 : i32
      %dma_wait3A_134 = tpu.memref_slice %arg4[%dma_wait3A_133] : memref<327680xi32, #tpu.memory_space<hbm>> -> memref<128xi32, #tpu.memory_space<hbm>>
      %dma_wait3A_135 = arith.constant 0 : i32
      %dma_wait3A_136 = tpu.memref_slice %arg4[%dma_wait3A_135] : memref<327680xi32, #tpu.memory_space<hbm>> -> memref<128xi32, #tpu.memory_space<hbm>>
      tpu.wait_dma2 semaphore(%arg24 : memref<!tpu.dma_semaphore, #tpu.memory_space<semaphore_mem>>) src(%dma_wait3A_136 : memref<128xi32, #tpu.memory_space<hbm>>) dst(%arg14 : memref<128xi32, #tpu.memory_space<vmem>>)
      %dma_wait3A_137 = arith.constant 0 : i32
      %dma_wait3A_138 = arith.constant 0 : i32
      %dma_wait3A_139 = tpu.memref_slice %arg29[%dma_wait3A_137, %dma_wait3A_138] : memref<10240x128xf32, #tpu.memory_space<vmem_shared>> -> memref<10240x128xf32, #tpu.memory_space<vmem_shared>>
      tpu.wait_indirect_dma semaphore(%arg28 : memref<!tpu.dma_semaphore, #tpu.memory_space<semaphore_mem>>) src(%arg16 : memref<128x128xf32, #tpu.memory_space<vmem>>) dst(%dma_wait3A_139 : memref<10240x128xf32, #tpu.memory_space<vmem_shared>>)
      %dma_start3A_140 = arith.constant 0 : i32
      %dma_start3A_141 = arith.constant 0 : i32
      %dma_start3A_142 = tpu.memref_slice %arg2[%dma_start3A_140, %dma_start3A_141] : memref<10000x128xf32, #tpu.memory_space<hbm>> -> memref<10000x128xf32, #tpu.memory_space<hbm>>
      tpu.enqueue_indirect_dma source(%dma_start3A_142 : memref<10000x128xf32, #tpu.memory_space<hbm>>) target(%arg16 : memref<128x128xf32, #tpu.memory_space<vmem>>) offsets(%arg10 : memref<128xi32, #tpu.memory_space<vmem>>) semaphore(%arg26 : memref<!tpu.dma_semaphore, #tpu.memory_space<semaphore_mem>>)
      %add3A_143 = arith.constant 2 : i32
      %add3A_144 = arith.addi %add3A_61, %add3A_143 : i32
      %add3A_145 = arith.constant 3 : i32
      %add3A_146 = arith.addi %add3A_144, %add3A_145 : i32
      %lt3A_147 = arith.constant 76 : i32
      %lt3A_148 = arith.cmpi slt, %add3A_61, %lt3A_147 : i32
      %convert_element_type3A_149 = arith.extui %lt3A_148 : i1 to i32
      %cond3A_150 = arith.constant 0 : i32
      %cond3A_151 = arith.cmpi ne, %convert_element_type3A_149, %cond3A_150 : i32
      scf.if %cond3A_151 {
        %mul3A_163 = arith.constant 128 : i32
        %mul3A_164 = arith.muli %add3A_146, %mul3A_163 : i32
        %add3A_165 = arith.addi %mul3A_8, %mul3A_164 : i32
        %dma_start3A_166 = tpu.memref_slice %arg3[%add3A_165] : memref<327680xi32, #tpu.memory_space<hbm>> -> memref<128xi32, #tpu.memory_space<hbm>>
        %dma_start3A_167 = tpu.memref_slice %arg3[%add3A_165] : memref<327680xi32, #tpu.memory_space<hbm>> -> memref<128xi32, #tpu.memory_space<hbm>>
        tpu.enqueue_dma source(%dma_start3A_167 : memref<128xi32, #tpu.memory_space<hbm>>) target(%arg8 : memref<128xi32, #tpu.memory_space<vmem>>) target_semaphore(%arg18 : memref<!tpu.dma_semaphore, #tpu.memory_space<semaphore_mem>>)
        %dma_start3A_168 = tpu.memref_slice %arg4[%add3A_165] : memref<327680xi32, #tpu.memory_space<hbm>> -> memref<128xi32, #tpu.memory_space<hbm>>
        %dma_start3A_169 = tpu.memref_slice %arg4[%add3A_165] : memref<327680xi32, #tpu.memory_space<hbm>> -> memref<128xi32, #tpu.memory_space<hbm>>
        tpu.enqueue_dma source(%dma_start3A_169 : memref<128xi32, #tpu.memory_space<hbm>>) target(%arg12 : memref<128xi32, #tpu.memory_space<vmem>>) target_semaphore(%arg22 : memref<!tpu.dma_semaphore, #tpu.memory_space<semaphore_mem>>)
      } else {
      }
      %dma_wait3A_152 = arith.constant 0 : i32
      %dma_wait3A_153 = arith.constant 0 : i32
      %dma_wait3A_154 = tpu.memref_slice %arg2[%dma_wait3A_152, %dma_wait3A_153] : memref<10000x128xf32, #tpu.memory_space<hbm>> -> memref<10000x128xf32, #tpu.memory_space<hbm>>
      tpu.wait_indirect_dma semaphore(%arg26 : memref<!tpu.dma_semaphore, #tpu.memory_space<semaphore_mem>>) src(%dma_wait3A_154 : memref<10000x128xf32, #tpu.memory_space<hbm>>) dst(%arg16 : memref<128x128xf32, #tpu.memory_space<vmem>>)
      %dma_start3A_155 = arith.constant 0 : i32
      %dma_start3A_156 = arith.constant 0 : i32
      %dma_start3A_157 = tpu.memref_slice %arg29[%dma_start3A_155, %dma_start3A_156] : memref<10240x128xf32, #tpu.memory_space<vmem_shared>> -> memref<10240x128xf32, #tpu.memory_space<vmem_shared>>
      tpu.enqueue_indirect_dma source(%arg16 : memref<128x128xf32, #tpu.memory_space<vmem>>) target(%dma_start3A_157 : memref<10240x128xf32, #tpu.memory_space<vmem_shared>>) offsets(%arg14 : memref<128xi32, #tpu.memory_space<vmem>>) semaphore(%arg28 : memref<!tpu.dma_semaphore, #tpu.memory_space<semaphore_mem>>) {add = true}
      %lt3A_158 = arith.constant 76 : i32
      %lt3A_159 = arith.cmpi slt, %add3A_61, %lt3A_158 : i32
      %convert_element_type3A_160 = arith.extui %lt3A_159 : i1 to i32
      %cond3A_161 = arith.constant 0 : i32
      %cond3A_162 = arith.cmpi ne, %convert_element_type3A_160, %cond3A_161 : i32
      scf.if %cond3A_162 {
        %dma_wait3A_163 = arith.constant 0 : i32
        %dma_wait3A_164 = tpu.memref_slice %arg3[%dma_wait3A_163] : memref<327680xi32, #tpu.memory_space<hbm>> -> memref<128xi32, #tpu.memory_space<hbm>>
        %dma_wait3A_165 = arith.constant 0 : i32
        %dma_wait3A_166 = tpu.memref_slice %arg3[%dma_wait3A_165] : memref<327680xi32, #tpu.memory_space<hbm>> -> memref<128xi32, #tpu.memory_space<hbm>>
        tpu.wait_dma2 semaphore(%arg17 : memref<!tpu.dma_semaphore, #tpu.memory_space<semaphore_mem>>) src(%dma_wait3A_166 : memref<128xi32, #tpu.memory_space<hbm>>) dst(%arg7 : memref<128xi32, #tpu.memory_space<vmem>>)
        %dma_wait3A_167 = arith.constant 0 : i32
        %dma_wait3A_168 = tpu.memref_slice %arg4[%dma_wait3A_167] : memref<327680xi32, #tpu.memory_space<hbm>> -> memref<128xi32, #tpu.memory_space<hbm>>
        %dma_wait3A_169 = arith.constant 0 : i32
        %dma_wait3A_170 = tpu.memref_slice %arg4[%dma_wait3A_169] : memref<327680xi32, #tpu.memory_space<hbm>> -> memref<128xi32, #tpu.memory_space<hbm>>
        tpu.wait_dma2 semaphore(%arg21 : memref<!tpu.dma_semaphore, #tpu.memory_space<semaphore_mem>>) src(%dma_wait3A_170 : memref<128xi32, #tpu.memory_space<hbm>>) dst(%arg11 : memref<128xi32, #tpu.memory_space<vmem>>)
        %dma_wait3A_171 = arith.constant 0 : i32
        %dma_wait3A_172 = arith.constant 0 : i32
        %dma_wait3A_173 = tpu.memref_slice %arg29[%dma_wait3A_171, %dma_wait3A_172] : memref<10240x128xf32, #tpu.memory_space<vmem_shared>> -> memref<10240x128xf32, #tpu.memory_space<vmem_shared>>
        tpu.wait_indirect_dma semaphore(%arg27 : memref<!tpu.dma_semaphore, #tpu.memory_space<semaphore_mem>>) src(%arg15 : memref<128x128xf32, #tpu.memory_space<vmem>>) dst(%dma_wait3A_173 : memref<10240x128xf32, #tpu.memory_space<vmem_shared>>)
        %dma_start3A_174 = arith.constant 0 : i32
        %dma_start3A_175 = arith.constant 0 : i32
        %dma_start3A_176 = tpu.memref_slice %arg2[%dma_start3A_174, %dma_start3A_175] : memref<10000x128xf32, #tpu.memory_space<hbm>> -> memref<10000x128xf32, #tpu.memory_space<hbm>>
        tpu.enqueue_indirect_dma source(%dma_start3A_176 : memref<10000x128xf32, #tpu.memory_space<hbm>>) target(%arg15 : memref<128x128xf32, #tpu.memory_space<vmem>>) offsets(%arg7 : memref<128xi32, #tpu.memory_space<vmem>>) semaphore(%arg25 : memref<!tpu.dma_semaphore, #tpu.memory_space<semaphore_mem>>)
        %add3A_177 = arith.constant 3 : i32
        %add3A_178 = arith.addi %add3A_61, %add3A_177 : i32
        %add3A_179 = arith.constant 3 : i32
        %add3A_180 = arith.addi %add3A_178, %add3A_179 : i32
        %lt3A_181 = arith.constant 76 : i32
        %lt3A_182 = arith.cmpi slt, %add3A_61, %lt3A_181 : i32
        %convert_element_type3A_183 = arith.extui %lt3A_182 : i1 to i32
        %cond3A_184 = arith.constant 0 : i32
        %cond3A_185 = arith.cmpi ne, %convert_element_type3A_183, %cond3A_184 : i32
        scf.if %cond3A_185 {
          %mul3A_186 = arith.constant 128 : i32
          %mul3A_187 = arith.muli %add3A_180, %mul3A_186 : i32
          %add3A_188 = arith.addi %mul3A_8, %mul3A_187 : i32
          %dma_start3A_189 = tpu.memref_slice %arg3[%add3A_188] : memref<327680xi32, #tpu.memory_space<hbm>> -> memref<128xi32, #tpu.memory_space<hbm>>
          %dma_start3A_190 = tpu.memref_slice %arg3[%add3A_188] : memref<327680xi32, #tpu.memory_space<hbm>> -> memref<128xi32, #tpu.memory_space<hbm>>
          tpu.enqueue_dma source(%dma_start3A_190 : memref<128xi32, #tpu.memory_space<hbm>>) target(%arg9 : memref<128xi32, #tpu.memory_space<vmem>>) target_semaphore(%arg19 : memref<!tpu.dma_semaphore, #tpu.memory_space<semaphore_mem>>)
          %dma_start3A_191 = tpu.memref_slice %arg4[%add3A_188] : memref<327680xi32, #tpu.memory_space<hbm>> -> memref<128xi32, #tpu.memory_space<hbm>>
          %dma_start3A_192 = tpu.memref_slice %arg4[%add3A_188] : memref<327680xi32, #tpu.memory_space<hbm>> -> memref<128xi32, #tpu.memory_space<hbm>>
          tpu.enqueue_dma source(%dma_start3A_192 : memref<128xi32, #tpu.memory_space<hbm>>) target(%arg13 : memref<128xi32, #tpu.memory_space<vmem>>) target_semaphore(%arg23 : memref<!tpu.dma_semaphore, #tpu.memory_space<semaphore_mem>>)
        } else {
        }
      } else {
      }
    }
    %scan3A_39 = arith.constant 20 : i32
    %dma_wait3A_40 = arith.constant 0 : i32
    %dma_wait3A_41 = arith.constant 0 : i32
    %dma_wait3A_42 = tpu.memref_slice %arg29[%dma_wait3A_40, %dma_wait3A_41] : memref<10240x128xf32, #tpu.memory_space<vmem_shared>> -> memref<10240x128xf32, #tpu.memory_space<vmem_shared>>
    tpu.wait_indirect_dma semaphore(%arg27 : memref<!tpu.dma_semaphore, #tpu.memory_space<semaphore_mem>>) src(%arg15 : memref<128x128xf32, #tpu.memory_space<vmem>>) dst(%dma_wait3A_42 : memref<10240x128xf32, #tpu.memory_space<vmem_shared>>)
    %dma_wait3A_43 = arith.constant 0 : i32
    %dma_wait3A_44 = arith.constant 0 : i32
    %dma_wait3A_45 = tpu.memref_slice %arg29[%dma_wait3A_43, %dma_wait3A_44] : memref<10240x128xf32, #tpu.memory_space<vmem_shared>> -> memref<10240x128xf32, #tpu.memory_space<vmem_shared>>
    tpu.wait_indirect_dma semaphore(%arg28 : memref<!tpu.dma_semaphore, #tpu.memory_space<semaphore_mem>>) src(%arg16 : memref<128x128xf32, #tpu.memory_space<vmem>>) dst(%dma_wait3A_45 : memref<10240x128xf32, #tpu.memory_space<vmem_shared>>)
    %barrier3A_46 = arith.constant 0 : index
    tpu.barrier barrier_id(%barrier3A_46)
    %lt3A_47 = arith.constant 15 : i32
    %lt3A_48 = arith.cmpi slt, %arg1, %lt3A_47 : i32
    %convert_element_type3A_49 = arith.extui %lt3A_48 : i1 to i32
    %cond3A_50 = arith.constant 0 : i32
    %cond3A_51 = arith.cmpi ne, %convert_element_type3A_49, %cond3A_50 : i32
    scf.if %cond3A_51 {
      %mul3A_57 = arith.constant 624 : i32
      %mul3A_58 = arith.muli %arg1, %mul3A_57 : i32
      %mul3A_59 = arith.constant 624 : i32
      %mul3A_60 = arith.muli %arg1, %mul3A_59 : i32
      "tpu.region"() ({
        %run_scoped3A = tpu.sem_alloc : memref<!tpu.dma_semaphore, #tpu.memory_space<semaphore_mem>>
        %dma_start3A_61 = arith.constant 0 : i32
        %dma_start3A_62 = arith.constant 0 : i32
        %dma_start3A_63 = tpu.memref_slice %arg6[%arg0, %dma_start3A_61, %dma_start3A_62] : memref<2x10000x128xf32, #tpu.memory_space<hbm>> -> memref<1x10000x128xf32, #tpu.memory_space<hbm>>
        %dma_start3A_64 = tpu.memref_squeeze %dma_start3A_63 : memref<1x10000x128xf32, #tpu.memory_space<hbm>> -> memref<10000x128xf32, #tpu.memory_space<hbm>>
        %dma_start3A_65 = arith.constant 0 : i32
        %dma_start3A_66 = tpu.memref_slice %dma_start3A_64[%mul3A_60, %dma_start3A_65] : memref<10000x128xf32, #tpu.memory_space<hbm>> -> memref<624x128xf32, #tpu.memory_space<hbm>>
        %dma_start3A_67 = arith.constant 0 : i32
        %dma_start3A_68 = tpu.memref_slice %arg29[%mul3A_58, %dma_start3A_67] : memref<10240x128xf32, #tpu.memory_space<vmem_shared>> -> memref<624x128xf32, #tpu.memory_space<vmem_shared>>
        tpu.enqueue_dma source(%dma_start3A_68 : memref<624x128xf32, #tpu.memory_space<vmem_shared>>) target(%dma_start3A_66 : memref<624x128xf32, #tpu.memory_space<hbm>>) target_semaphore(%run_scoped3A : memref<!tpu.dma_semaphore, #tpu.memory_space<semaphore_mem>>)
        %dma_wait3A_69 = arith.constant 0 : i32
        %dma_wait3A_70 = arith.constant 0 : i32
        %dma_wait3A_71 = tpu.memref_slice %arg6[%arg0, %dma_wait3A_69, %dma_wait3A_70] : memref<2x10000x128xf32, #tpu.memory_space<hbm>> -> memref<1x10000x128xf32, #tpu.memory_space<hbm>>
        %dma_wait3A_72 = tpu.memref_squeeze %dma_wait3A_71 : memref<1x10000x128xf32, #tpu.memory_space<hbm>> -> memref<10000x128xf32, #tpu.memory_space<hbm>>
        %dma_wait3A_73 = arith.constant 0 : i32
        %dma_wait3A_74 = tpu.memref_slice %dma_wait3A_72[%mul3A_60, %dma_wait3A_73] : memref<10000x128xf32, #tpu.memory_space<hbm>> -> memref<624x128xf32, #tpu.memory_space<hbm>>
        %dma_wait3A_75 = arith.constant 0 : i32
        %dma_wait3A_76 = tpu.memref_slice %arg29[%mul3A_58, %dma_wait3A_75] : memref<10240x128xf32, #tpu.memory_space<vmem_shared>> -> memref<624x128xf32, #tpu.memory_space<vmem_shared>>
        tpu.wait_dma2 semaphore(%run_scoped3A : memref<!tpu.dma_semaphore, #tpu.memory_space<semaphore_mem>>) src(%dma_wait3A_76 : memref<624x128xf32, #tpu.memory_space<vmem_shared>>) dst(%dma_wait3A_74 : memref<624x128xf32, #tpu.memory_space<hbm>>)
        tpu.yield
      }) : () -> ()
    } else {
    }
    %eq3A_52 = arith.constant 15 : i32
    %eq3A_53 = arith.cmpi eq, %arg1, %eq3A_52 : i32
    %convert_element_type3A_54 = arith.extui %eq3A_53 : i1 to i32
    %cond3A_55 = arith.constant 0 : i32
    %cond3A_56 = arith.cmpi ne, %convert_element_type3A_54, %cond3A_55 : i32
    scf.if %cond3A_56 {
      "tpu.region"() ({
        %run_scoped3A = tpu.sem_alloc : memref<!tpu.dma_semaphore, #tpu.memory_space<semaphore_mem>>
        %dma_start3A_57 = arith.constant 0 : i32
        %dma_start3A_58 = arith.constant 0 : i32
        %dma_start3A_59 = tpu.memref_slice %arg6[%arg0, %dma_start3A_57, %dma_start3A_58] : memref<2x10000x128xf32, #tpu.memory_space<hbm>> -> memref<1x10000x128xf32, #tpu.memory_space<hbm>>
        %dma_start3A_60 = tpu.memref_squeeze %dma_start3A_59 : memref<1x10000x128xf32, #tpu.memory_space<hbm>> -> memref<10000x128xf32, #tpu.memory_space<hbm>>
        %dma_start3A_61 = arith.constant 9360 : i32
        %dma_start3A_62 = arith.constant 0 : i32
        %dma_start3A_63 = tpu.memref_slice %dma_start3A_60[%dma_start3A_61, %dma_start3A_62] : memref<10000x128xf32, #tpu.memory_space<hbm>> -> memref<640x128xf32, #tpu.memory_space<hbm>>
        %dma_start3A_64 = arith.constant 9360 : i32
        %dma_start3A_65 = arith.constant 0 : i32
        %dma_start3A_66 = tpu.memref_slice %arg29[%dma_start3A_64, %dma_start3A_65] : memref<10240x128xf32, #tpu.memory_space<vmem_shared>> -> memref<640x128xf32, #tpu.memory_space<vmem_shared>>
        tpu.enqueue_dma source(%dma_start3A_66 : memref<640x128xf32, #tpu.memory_space<vmem_shared>>) target(%dma_start3A_63 : memref<640x128xf32, #tpu.memory_space<hbm>>) target_semaphore(%run_scoped3A : memref<!tpu.dma_semaphore, #tpu.memory_space<semaphore_mem>>)
        %dma_wait3A_67 = arith.constant 0 : i32
        %dma_wait3A_68 = arith.constant 0 : i32
        %dma_wait3A_69 = tpu.memref_slice %arg6[%arg0, %dma_wait3A_67, %dma_wait3A_68] : memref<2x10000x128xf32, #tpu.memory_space<hbm>> -> memref<1x10000x128xf32, #tpu.memory_space<hbm>>
        %dma_wait3A_70 = tpu.memref_squeeze %dma_wait3A_69 : memref<1x10000x128xf32, #tpu.memory_space<hbm>> -> memref<10000x128xf32, #tpu.memory_space<hbm>>
        %dma_wait3A_71 = arith.constant 9360 : i32
        %dma_wait3A_72 = arith.constant 0 : i32
        %dma_wait3A_73 = tpu.memref_slice %dma_wait3A_70[%dma_wait3A_71, %dma_wait3A_72] : memref<10000x128xf32, #tpu.memory_space<hbm>> -> memref<640x128xf32, #tpu.memory_space<hbm>>
        %dma_wait3A_74 = arith.constant 9360 : i32
        %dma_wait3A_75 = arith.constant 0 : i32
        %dma_wait3A_76 = tpu.memref_slice %arg29[%dma_wait3A_74, %dma_wait3A_75] : memref<10240x128xf32, #tpu.memory_space<vmem_shared>> -> memref<640x128xf32, #tpu.memory_space<vmem_shared>>
        tpu.wait_dma2 semaphore(%run_scoped3A : memref<!tpu.dma_semaphore, #tpu.memory_space<semaphore_mem>>) src(%dma_wait3A_76 : memref<640x128xf32, #tpu.memory_space<vmem_shared>>) dst(%dma_wait3A_73 : memref<640x128xf32, #tpu.memory_space<hbm>>)
        tpu.yield
      }) : () -> ()
    } else {
    }
    return
  }
}

module attributes {stable_mosaic.version = 14 : i64} {
  func.func @body(%arg0: i32, %arg1: memref<1000x128xf32, #tpu.memory_space<vmem>>, %arg2: memref<1000x32xf32, #tpu.memory_space<vmem>>, %arg3: memref<128x128xf32, #tpu.memory_space<vmem>>, %arg4: memref<1x128xf32, #tpu.memory_space<vmem>>, %arg5: memref<1000x128xf32, #tpu.memory_space<vmem>>, %arg6: memref<1000x128xf32, #tpu.memory_space<vmem>>) attributes {dimension_semantics = [#tpu.dimension_semantics<arbitrary>], iteration_bounds = array<i64: 10>, scalar_prefetch = 0 : i64, scratch_operands = 0 : i64, tpu.core_type = #tpu.core_type<tc>, window_params = [{transform_indices = @transform_0, window_bounds = array<i64: 1000, 128>}, {transform_indices = @transform_1, window_bounds = array<i64: 1000, 32>}, {pipeline_mode = #tpu.pipeline_mode<synchronous>, transform_indices = @transform_2, window_bounds = array<i64: 128, 128>}, {pipeline_mode = #tpu.pipeline_mode<synchronous>, transform_indices = @transform_3, window_bounds = array<i64: 1, 128>}, {transform_indices = @transform_4, window_bounds = array<i64: 1000, 128>}, {transform_indices = @transform_5, window_bounds = array<i64: 1000, 128>}]} {
    %get3A = arith.constant 0 : index
    %get3A_0 = arith.constant 0 : index
    %get3A_1 = vector.load %arg2[%get3A, %get3A_0] : memref<1000x32xf32, #tpu.memory_space<vmem>>, vector<1000x32xf32>
    %reduce_sum3A = arith.constant dense<0.000000e+00> : vector<1000xf32>
    %reduce_sum3A_2 = vector.multi_reduction <add>, %get3A_1, %reduce_sum3A [1] : vector<1000x32xf32> to vector<1000xf32>
    %broadcast_in_dim3A = vector.shape_cast %reduce_sum3A_2 : vector<1000xf32> to vector<1000x1xf32>
    %add3A = arith.constant 1.000000e+00 : f32
    %add3A_3 = vector.broadcast %add3A : f32 to vector<1000x1xf32>
    %add3A_4 = arith.addf %broadcast_in_dim3A, %add3A_3 : vector<1000x1xf32>
    %rsqrt3A = math.rsqrt %add3A_4 : vector<1000x1xf32>
    %div3A = arith.constant 1.000000e+00 : f32
    %div3A_5 = vector.broadcast %div3A : f32 to vector<1000x1xf32>
    %div3A_6 = arith.divf %div3A_5, %add3A_4 : vector<1000x1xf32>
    %get3A_7 = arith.constant 0 : index
    %get3A_8 = arith.constant 0 : index
    %get3A_9 = vector.load %arg1[%get3A_7, %get3A_8] : memref<1000x128xf32, #tpu.memory_space<vmem>>, vector<1000x128xf32>
    %get3A_10 = arith.constant 0 : index
    %get3A_11 = arith.constant 0 : index
    %get3A_12 = vector.load %arg3[%get3A_10, %get3A_11] : memref<128x128xf32, #tpu.memory_space<vmem>>, vector<128x128xf32>
    %dot_general3A = arith.constant dense<0.000000e+00> : vector<1000x128xf32>
    %dot_general3A_13 = tpu.matmul %get3A_9, %get3A_12, %dot_general3A {dimension_numbers = #tpu.dot_dimension_numbers<[1], [0], [0], [1], [0, 0, 1, 1], [], []>, precision = #tpu.contract_precision<fp32>, transpose_lhs_hint = false} : vector<1000x128xf32>, vector<128x128xf32>, vector<1000x128xf32> -> vector<1000x128xf32>
    %mul3A = vector.broadcast %rsqrt3A : vector<1000x1xf32> to vector<1000x128xf32>
    %mul3A_14 = arith.mulf %dot_general3A_13, %mul3A : vector<1000x128xf32>
    %swap3A = arith.constant 0 : index
    %swap3A_15 = arith.constant 0 : index
    %swap3A_16 = vector.load %arg5[%swap3A, %swap3A_15] : memref<1000x128xf32, #tpu.memory_space<vmem>>, vector<1000x128xf32>
    tpu.vector_store %arg5[%swap3A, %swap3A_15], %mul3A_14 {strides = array<i32>} : memref<1000x128xf32, #tpu.memory_space<vmem>>, vector<1000x128xf32>,
    %mul3A_17 = vector.broadcast %div3A_6 : vector<1000x1xf32> to vector<1000x128xf32>
    %mul3A_18 = arith.mulf %dot_general3A_13, %mul3A_17 : vector<1000x128xf32>
    %get3A_19 = arith.constant 0 : index
    %get3A_20 = arith.constant 0 : index
    %get3A_21 = vector.load %arg4[%get3A_19, %get3A_20] : memref<1x128xf32, #tpu.memory_space<vmem>>, vector<1x128xf32>
    %add3A_22 = vector.broadcast %get3A_21 : vector<1x128xf32> to vector<1000x128xf32>
    %add3A_23 = arith.addf %mul3A_18, %add3A_22 : vector<1000x128xf32>
    %swap3A_24 = arith.constant 0 : index
    %swap3A_25 = arith.constant 0 : index
    %swap3A_26 = vector.load %arg6[%swap3A_24, %swap3A_25] : memref<1000x128xf32, #tpu.memory_space<vmem>>, vector<1000x128xf32>
    tpu.vector_store %arg6[%swap3A_24, %swap3A_25], %add3A_23 {strides = array<i32>} : memref<1000x128xf32, #tpu.memory_space<vmem>>, vector<1000x128xf32>,
    return
  }
  func.func @transform_0(%arg0: i32) -> (i32, i32) {
    %c0_i32 = arith.constant 0 : i32
    %c0_i32_0 = arith.constant 0 : i32
    return %arg0, %c0_i32 : i32, i32
  }
  func.func @transform_1(%arg0: i32) -> (i32, i32) {
    %c0_i32 = arith.constant 0 : i32
    %c0_i32_0 = arith.constant 0 : i32
    return %arg0, %c0_i32 : i32, i32
  }
  func.func @transform_2(%arg0: i32) -> (i32, i32) {
    %c0_i32 = arith.constant 0 : i32
    %c0_i32_0 = arith.constant 0 : i32
    %c0_i32_1 = arith.constant 0 : i32
    return %c0_i32, %c0_i32_0 : i32, i32
  }
  func.func @transform_3(%arg0: i32) -> (i32, i32) {
    %c0_i32 = arith.constant 0 : i32
    %c0_i32_0 = arith.constant 0 : i32
    %c0_i32_1 = arith.constant 0 : i32
    return %c0_i32, %c0_i32_0 : i32, i32
  }
  func.func @transform_4(%arg0: i32) -> (i32, i32) {
    %c0_i32 = arith.constant 0 : i32
    %c0_i32_0 = arith.constant 0 : i32
    return %arg0, %c0_i32 : i32, i32
  }
  func.func @transform_5(%arg0: i32) -> (i32, i32) {
    %c0_i32 = arith.constant 0 : i32
    %c0_i32_0 = arith.constant 0 : i32
    return %arg0, %c0_i32 : i32, i32
  }
}

module attributes {stable_mosaic.version = 14 : i64} {
  func.func @body(%arg0: i32, %arg1: memref<2x1000x128xf32, #tpu.memory_space<vmem>>, %arg2: memref<1000x32xf32, #tpu.memory_space<vmem>>, %arg3: memref<1000x128xf32, #tpu.memory_space<vmem>>, %arg4: memref<128x128xf32, #tpu.memory_space<vmem>>, %arg5: memref<1x128xf32, #tpu.memory_space<vmem>>, %arg6: memref<1000x128xf32, #tpu.memory_space<vmem>>, %arg7: memref<1000x128xf32, #tpu.memory_space<vmem>>) attributes {dimension_semantics = [#tpu.dimension_semantics<arbitrary>], iteration_bounds = array<i64: 10>, scalar_prefetch = 0 : i64, scratch_operands = 0 : i64, tpu.core_type = #tpu.core_type<tc>, window_params = [{transform_indices = @transform_0, window_bounds = array<i64: 2, 1000, 128>}, {transform_indices = @transform_1, window_bounds = array<i64: 1000, 32>}, {transform_indices = @transform_2, window_bounds = array<i64: 1000, 128>}, {pipeline_mode = #tpu.pipeline_mode<synchronous>, transform_indices = @transform_3, window_bounds = array<i64: 128, 128>}, {pipeline_mode = #tpu.pipeline_mode<synchronous>, transform_indices = @transform_4, window_bounds = array<i64: 1, 128>}, {transform_indices = @transform_5, window_bounds = array<i64: 1000, 128>}, {transform_indices = @transform_6, window_bounds = array<i64: 1000, 128>}]} {
    %get3A = arith.constant 0 : index
    %get3A_0 = arith.constant 0 : index
    %get3A_1 = vector.load %arg2[%get3A, %get3A_0] : memref<1000x32xf32, #tpu.memory_space<vmem>>, vector<1000x32xf32>
    %reduce_sum3A = arith.constant dense<0.000000e+00> : vector<1000xf32>
    %reduce_sum3A_2 = vector.multi_reduction <add>, %get3A_1, %reduce_sum3A [1] : vector<1000x32xf32> to vector<1000xf32>
    %broadcast_in_dim3A = vector.shape_cast %reduce_sum3A_2 : vector<1000xf32> to vector<1000x1xf32>
    %add3A = arith.constant 1.000000e+00 : f32
    %add3A_3 = vector.broadcast %add3A : f32 to vector<1000x1xf32>
    %add3A_4 = arith.addf %broadcast_in_dim3A, %add3A_3 : vector<1000x1xf32>
    %rsqrt3A = math.rsqrt %add3A_4 : vector<1000x1xf32>
    %div3A = arith.constant 1.000000e+00 : f32
    %div3A_5 = vector.broadcast %div3A : f32 to vector<1000x1xf32>
    %div3A_6 = arith.divf %div3A_5, %add3A_4 : vector<1000x1xf32>
    %get3A_7 = arith.constant 0 : index
    %get3A_8 = arith.constant 0 : index
    %get3A_9 = arith.constant 0 : index
    %get3A_10 = vector.load %arg1[%get3A_7, %get3A_8, %get3A_9] : memref<2x1000x128xf32, #tpu.memory_space<vmem>>, vector<1x1000x128xf32>
    %get3A_11 = vector.shape_cast %get3A_10 : vector<1x1000x128xf32> to vector<1000x128xf32>
    %get3A_12 = arith.constant 1 : index
    %get3A_13 = arith.constant 0 : index
    %get3A_14 = arith.constant 0 : index
    %get3A_15 = vector.load %arg1[%get3A_12, %get3A_13, %get3A_14] : memref<2x1000x128xf32, #tpu.memory_space<vmem>>, vector<1x1000x128xf32>
    %get3A_16 = vector.shape_cast %get3A_15 : vector<1x1000x128xf32> to vector<1000x128xf32>
    %add3A_17 = arith.addf %get3A_11, %get3A_16 : vector<1000x128xf32>
    %mul3A = vector.broadcast %rsqrt3A : vector<1000x1xf32> to vector<1000x128xf32>
    %mul3A_18 = arith.mulf %add3A_17, %mul3A : vector<1000x128xf32>
    %get3A_19 = arith.constant 0 : index
    %get3A_20 = arith.constant 0 : index
    %get3A_21 = vector.load %arg3[%get3A_19, %get3A_20] : memref<1000x128xf32, #tpu.memory_space<vmem>>, vector<1000x128xf32>
    %add3A_22 = arith.addf %mul3A_18, %get3A_21 : vector<1000x128xf32>
    %max3A = arith.constant 0.000000e+00 : f32
    %max3A_23 = vector.broadcast %max3A : f32 to vector<1000x128xf32>
    %max3A_24 = arith.maximumf %add3A_22, %max3A_23 : vector<1000x128xf32>
    %get3A_25 = arith.constant 0 : index
    %get3A_26 = arith.constant 0 : index
    %get3A_27 = vector.load %arg4[%get3A_25, %get3A_26] : memref<128x128xf32, #tpu.memory_space<vmem>>, vector<128x128xf32>
    %dot_general3A = arith.constant dense<0.000000e+00> : vector<1000x128xf32>
    %dot_general3A_28 = tpu.matmul %max3A_24, %get3A_27, %dot_general3A {dimension_numbers = #tpu.dot_dimension_numbers<[1], [0], [0], [1], [0, 0, 1, 1], [], []>, precision = #tpu.contract_precision<fp32>, transpose_lhs_hint = false} : vector<1000x128xf32>, vector<128x128xf32>, vector<1000x128xf32> -> vector<1000x128xf32>
    %mul3A_29 = vector.broadcast %rsqrt3A : vector<1000x1xf32> to vector<1000x128xf32>
    %mul3A_30 = arith.mulf %dot_general3A_28, %mul3A_29 : vector<1000x128xf32>
    %swap3A = arith.constant 0 : index
    %swap3A_31 = arith.constant 0 : index
    %swap3A_32 = vector.load %arg6[%swap3A, %swap3A_31] : memref<1000x128xf32, #tpu.memory_space<vmem>>, vector<1000x128xf32>
    tpu.vector_store %arg6[%swap3A, %swap3A_31], %mul3A_30 {strides = array<i32>} : memref<1000x128xf32, #tpu.memory_space<vmem>>, vector<1000x128xf32>,
    %mul3A_33 = vector.broadcast %div3A_6 : vector<1000x1xf32> to vector<1000x128xf32>
    %mul3A_34 = arith.mulf %dot_general3A_28, %mul3A_33 : vector<1000x128xf32>
    %get3A_35 = arith.constant 0 : index
    %get3A_36 = arith.constant 0 : index
    %get3A_37 = vector.load %arg5[%get3A_35, %get3A_36] : memref<1x128xf32, #tpu.memory_space<vmem>>, vector<1x128xf32>
    %add3A_38 = vector.broadcast %get3A_37 : vector<1x128xf32> to vector<1000x128xf32>
    %add3A_39 = arith.addf %mul3A_34, %add3A_38 : vector<1000x128xf32>
    %swap3A_40 = arith.constant 0 : index
    %swap3A_41 = arith.constant 0 : index
    %swap3A_42 = vector.load %arg7[%swap3A_40, %swap3A_41] : memref<1000x128xf32, #tpu.memory_space<vmem>>, vector<1000x128xf32>
    tpu.vector_store %arg7[%swap3A_40, %swap3A_41], %add3A_39 {strides = array<i32>} : memref<1000x128xf32, #tpu.memory_space<vmem>>, vector<1000x128xf32>,
    return
  }
  func.func @transform_0(%arg0: i32) -> (i32, i32, i32) {
    %c0_i32 = arith.constant 0 : i32
    %c0_i32_0 = arith.constant 0 : i32
    %c0_i32_1 = arith.constant 0 : i32
    return %c0_i32, %arg0, %c0_i32_0 : i32, i32, i32
  }
  func.func @transform_1(%arg0: i32) -> (i32, i32) {
    %c0_i32 = arith.constant 0 : i32
    %c0_i32_0 = arith.constant 0 : i32
    return %arg0, %c0_i32 : i32, i32
  }
  func.func @transform_2(%arg0: i32) -> (i32, i32) {
    %c0_i32 = arith.constant 0 : i32
    %c0_i32_0 = arith.constant 0 : i32
    return %arg0, %c0_i32 : i32, i32
  }
  func.func @transform_3(%arg0: i32) -> (i32, i32) {
    %c0_i32 = arith.constant 0 : i32
    %c0_i32_0 = arith.constant 0 : i32
    %c0_i32_1 = arith.constant 0 : i32
    return %c0_i32, %c0_i32_0 : i32, i32
  }
  func.func @transform_4(%arg0: i32) -> (i32, i32) {
    %c0_i32 = arith.constant 0 : i32
    %c0_i32_0 = arith.constant 0 : i32
    %c0_i32_1 = arith.constant 0 : i32
    return %c0_i32, %c0_i32_0 : i32, i32
  }
  func.func @transform_5(%arg0: i32) -> (i32, i32) {
    %c0_i32 = arith.constant 0 : i32
    %c0_i32_0 = arith.constant 0 : i32
    return %arg0, %c0_i32 : i32, i32
  }
  func.func @transform_6(%arg0: i32) -> (i32, i32) {
    %c0_i32 = arith.constant 0 : i32
    %c0_i32_0 = arith.constant 0 : i32
    return %arg0, %c0_i32 : i32, i32
  }
}

module attributes {stable_mosaic.version = 14 : i64} {
  func.func @body(%arg0: i32, %arg1: memref<2x1000x128xf32, #tpu.memory_space<vmem>>, %arg2: memref<1000x32xf32, #tpu.memory_space<vmem>>, %arg3: memref<1000x128xf32, #tpu.memory_space<vmem>>, %arg4: memref<128x128xf32, #tpu.memory_space<vmem>>, %arg5: memref<1x128xf32, #tpu.memory_space<vmem>>, %arg6: memref<128x128xf32, #tpu.memory_space<vmem>>, %arg7: memref<1x128xf32, #tpu.memory_space<vmem>>, %arg8: memref<1x1x1000xi32, #tpu.memory_space<vmem>>, %arg9: memref<1000x128xf32, #tpu.memory_space<vmem>>, %arg10: memref<1000x10xf32, #tpu.memory_space<vmem>>, %arg11: memref<1000x10xf32, #tpu.memory_space<vmem>>, %arg12: memref<64x10xf32, #tpu.memory_space<vmem>>, %arg13: memref<64x128xf32, #tpu.memory_space<vmem>>) attributes {dimension_semantics = [#tpu.dimension_semantics<arbitrary>], iteration_bounds = array<i64: 10>, scalar_prefetch = 0 : i64, scratch_operands = 1 : i64, tpu.core_type = #tpu.core_type<tc>, window_params = [{transform_indices = @transform_0, window_bounds = array<i64: 2, 1000, 128>}, {transform_indices = @transform_1, window_bounds = array<i64: 1000, 32>}, {transform_indices = @transform_2, window_bounds = array<i64: 1000, 128>}, {pipeline_mode = #tpu.pipeline_mode<synchronous>, transform_indices = @transform_3, window_bounds = array<i64: 128, 128>}, {pipeline_mode = #tpu.pipeline_mode<synchronous>, transform_indices = @transform_4, window_bounds = array<i64: 1, 128>}, {pipeline_mode = #tpu.pipeline_mode<synchronous>, transform_indices = @transform_5, window_bounds = array<i64: 128, 128>}, {pipeline_mode = #tpu.pipeline_mode<synchronous>, transform_indices = @transform_6, window_bounds = array<i64: 1, 128>}, {transform_indices = @transform_7, window_bounds = array<i64: 1, 1, 1000>}, {transform_indices = @transform_8, window_bounds = array<i64: 1000, 128>}, {transform_indices = @transform_9, window_bounds = array<i64: 1000, 10>}, {transform_indices = @transform_10, window_bounds = array<i64: 1000, 10>}, {pipeline_mode = #tpu.pipeline_mode<synchronous>, transform_indices = @transform_11, window_bounds = array<i64: 64, 10>}]} {
    %get3A = arith.constant 0 : index
    %get3A_0 = arith.constant 0 : index
    %get3A_1 = vector.load %arg2[%get3A, %get3A_0] : memref<1000x32xf32, #tpu.memory_space<vmem>>, vector<1000x32xf32>
    %reduce_sum3A = arith.constant dense<0.000000e+00> : vector<1000xf32>
    %reduce_sum3A_2 = vector.multi_reduction <add>, %get3A_1, %reduce_sum3A [1] : vector<1000x32xf32> to vector<1000xf32>
    %broadcast_in_dim3A = vector.shape_cast %reduce_sum3A_2 : vector<1000xf32> to vector<1000x1xf32>
    %add3A = arith.constant 1.000000e+00 : f32
    %add3A_3 = vector.broadcast %add3A : f32 to vector<1000x1xf32>
    %add3A_4 = arith.addf %broadcast_in_dim3A, %add3A_3 : vector<1000x1xf32>
    %rsqrt3A = math.rsqrt %add3A_4 : vector<1000x1xf32>
    %get3A_5 = arith.constant 0 : index
    %get3A_6 = arith.constant 0 : index
    %get3A_7 = arith.constant 0 : index
    %get3A_8 = vector.load %arg1[%get3A_5, %get3A_6, %get3A_7] : memref<2x1000x128xf32, #tpu.memory_space<vmem>>, vector<1x1000x128xf32>
    %get3A_9 = vector.shape_cast %get3A_8 : vector<1x1000x128xf32> to vector<1000x128xf32>
    %get3A_10 = arith.constant 1 : index
    %get3A_11 = arith.constant 0 : index
    %get3A_12 = arith.constant 0 : index
    %get3A_13 = vector.load %arg1[%get3A_10, %get3A_11, %get3A_12] : memref<2x1000x128xf32, #tpu.memory_space<vmem>>, vector<1x1000x128xf32>
    %get3A_14 = vector.shape_cast %get3A_13 : vector<1x1000x128xf32> to vector<1000x128xf32>
    %add3A_15 = arith.addf %get3A_9, %get3A_14 : vector<1000x128xf32>
    %mul3A = vector.broadcast %rsqrt3A : vector<1000x1xf32> to vector<1000x128xf32>
    %mul3A_16 = arith.mulf %add3A_15, %mul3A : vector<1000x128xf32>
    %get3A_17 = arith.constant 0 : index
    %get3A_18 = arith.constant 0 : index
    %get3A_19 = vector.load %arg3[%get3A_17, %get3A_18] : memref<1000x128xf32, #tpu.memory_space<vmem>>, vector<1000x128xf32>
    %add3A_20 = arith.addf %mul3A_16, %get3A_19 : vector<1000x128xf32>
    %swap3A = arith.constant 0 : index
    %swap3A_21 = arith.constant 0 : index
    %swap3A_22 = vector.load %arg9[%swap3A, %swap3A_21] : memref<1000x128xf32, #tpu.memory_space<vmem>>, vector<1000x128xf32>
    tpu.vector_store %arg9[%swap3A, %swap3A_21], %add3A_20 {strides = array<i32>} : memref<1000x128xf32, #tpu.memory_space<vmem>>, vector<1000x128xf32>,
    %get3A_23 = arith.constant 0 : index
    %get3A_24 = arith.constant 0 : index
    %get3A_25 = vector.load %arg4[%get3A_23, %get3A_24] : memref<128x128xf32, #tpu.memory_space<vmem>>, vector<128x128xf32>
    %dot_general3A = arith.constant dense<0.000000e+00> : vector<1000x128xf32>
    %dot_general3A_26 = tpu.matmul %add3A_20, %get3A_25, %dot_general3A {dimension_numbers = #tpu.dot_dimension_numbers<[1], [0], [0], [1], [0, 0, 1, 1], [], []>, precision = #tpu.contract_precision<fp32>, transpose_lhs_hint = false} : vector<1000x128xf32>, vector<128x128xf32>, vector<1000x128xf32> -> vector<1000x128xf32>
    %get3A_27 = arith.constant 0 : index
    %get3A_28 = arith.constant 0 : index
    %get3A_29 = vector.load %arg5[%get3A_27, %get3A_28] : memref<1x128xf32, #tpu.memory_space<vmem>>, vector<1x128xf32>
    %add3A_30 = vector.broadcast %get3A_29 : vector<1x128xf32> to vector<1000x128xf32>
    %add3A_31 = arith.addf %dot_general3A_26, %add3A_30 : vector<1000x128xf32>
    %get3A_32 = arith.constant 0 : index
    %get3A_33 = arith.constant 0 : index
    %get3A_34 = vector.load %arg6[%get3A_32, %get3A_33] : memref<128x128xf32, #tpu.memory_space<vmem>>, vector<128x128xf32>
    %dot_general3A_35 = arith.constant dense<0.000000e+00> : vector<1000x128xf32>
    %dot_general3A_36 = tpu.matmul %add3A_20, %get3A_34, %dot_general3A_35 {dimension_numbers = #tpu.dot_dimension_numbers<[1], [0], [0], [1], [0, 0, 1, 1], [], []>, precision = #tpu.contract_precision<fp32>, transpose_lhs_hint = false} : vector<1000x128xf32>, vector<128x128xf32>, vector<1000x128xf32> -> vector<1000x128xf32>
    %get3A_37 = arith.constant 0 : index
    %get3A_38 = arith.constant 0 : index
    %get3A_39 = vector.load %arg7[%get3A_37, %get3A_38] : memref<1x128xf32, #tpu.memory_space<vmem>>, vector<1x128xf32>
    %add3A_40 = vector.broadcast %get3A_39 : vector<1x128xf32> to vector<1000x128xf32>
    %add3A_41 = arith.addf %dot_general3A_36, %add3A_40 : vector<1000x128xf32>
    %slice3A = vector.extract_strided_slice %add3A_31 {offsets = [0, 0], sizes = [1000, 10], strides = [1, 1]} : vector<1000x128xf32> to vector<1000x10xf32>
    %swap3A_42 = arith.constant 0 : index
    %swap3A_43 = arith.constant 0 : index
    %swap3A_44 = vector.load %arg10[%swap3A_42, %swap3A_43] : memref<1000x10xf32, #tpu.memory_space<vmem>>, vector<1000x10xf32>
    tpu.vector_store %arg10[%swap3A_42, %swap3A_43], %slice3A {strides = array<i32>} : memref<1000x10xf32, #tpu.memory_space<vmem>>, vector<1000x10xf32>,
    %slice3A_45 = vector.extract_strided_slice %add3A_41 {offsets = [0, 0], sizes = [1000, 10], strides = [1, 1]} : vector<1000x128xf32> to vector<1000x10xf32>
    %swap3A_46 = arith.constant 0 : index
    %swap3A_47 = arith.constant 0 : index
    %swap3A_48 = vector.load %arg11[%swap3A_46, %swap3A_47] : memref<1000x10xf32, #tpu.memory_space<vmem>>, vector<1000x10xf32>
    tpu.vector_store %arg11[%swap3A_46, %swap3A_47], %slice3A_45 {strides = array<i32>} : memref<1000x10xf32, #tpu.memory_space<vmem>>, vector<1000x10xf32>,
    %mul3A_49 = arith.mulf %add3A_31, %add3A_41 : vector<1000x128xf32>
    %get3A_50 = arith.constant 0 : index
    %get3A_51 = arith.constant 0 : index
    %get3A_52 = arith.constant 0 : index
    %get3A_53 = vector.load %arg8[%get3A_50, %get3A_51, %get3A_52] : memref<1x1x1000xi32, #tpu.memory_space<vmem>>, vector<1x1x1000xi32>
    %get3A_54 = vector.shape_cast %get3A_53 : vector<1x1x1000xi32> to vector<1x1000xi32>
    %iota3A = tpu.iota {dimensions = array<i32: 0>} : vector<64x1000xi32>
    %eq3A = vector.broadcast %get3A_54 : vector<1x1000xi32> to vector<64x1000xi32>
    %eq3A_55 = arith.cmpi eq, %iota3A, %eq3A : vector<64x1000xi32>
    %convert_element_type3A = arith.extui %eq3A_55 : vector<64x1000xi1> to vector<64x1000xi32>
    %convert_element_type3A_56 = arith.sitofp %convert_element_type3A : vector<64x1000xi32> to vector<64x1000xf32>
    %dot_general3A_57 = arith.constant dense<0.000000e+00> : vector<64x128xf32>
    %dot_general3A_58 = tpu.matmul %convert_element_type3A_56, %mul3A_49, %dot_general3A_57 {dimension_numbers = #tpu.dot_dimension_numbers<[1], [0], [0], [1], [0, 0, 1, 1], [], []>, precision = #tpu.contract_precision<fp32>, transpose_lhs_hint = false} : vector<64x1000xf32>, vector<1000x128xf32>, vector<64x128xf32> -> vector<64x128xf32>
    %eq3A_59 = arith.constant 0 : i32
    %eq3A_60 = arith.cmpi eq, %arg0, %eq3A_59 : i32
    %convert_element_type3A_61 = arith.extui %eq3A_60 : i1 to i32
    %cond3A = arith.constant 0 : i32
    %cond3A_62 = arith.cmpi ne, %convert_element_type3A_61, %cond3A : i32
    scf.if %cond3A_62 {
      %broadcast_in_dim3A_91 = arith.constant 0.000000e+00 : f32
      %broadcast_in_dim3A_92 = vector.broadcast %broadcast_in_dim3A_91 : f32 to vector<64x128xf32>
      %swap3A_93 = arith.constant 0 : index
      %swap3A_94 = arith.constant 0 : index
      %swap3A_95 = vector.load %arg13[%swap3A_93, %swap3A_94] : memref<64x128xf32, #tpu.memory_space<vmem>>, vector<64x128xf32>
      tpu.vector_store %arg13[%swap3A_93, %swap3A_94], %broadcast_in_dim3A_92 {strides = array<i32>} : memref<64x128xf32, #tpu.memory_space<vmem>>, vector<64x128xf32>,
    } else {
    }
    %get3A_63 = arith.constant 0 : index
    %get3A_64 = arith.constant 0 : index
    %get3A_65 = vector.load %arg13[%get3A_63, %get3A_64] : memref<64x128xf32, #tpu.memory_space<vmem>>, vector<64x128xf32>
    %add3A_66 = arith.addf %get3A_65, %dot_general3A_58 : vector<64x128xf32>
    %swap3A_67 = arith.constant 0 : index
    %swap3A_68 = arith.constant 0 : index
    %swap3A_69 = vector.load %arg13[%swap3A_67, %swap3A_68] : memref<64x128xf32, #tpu.memory_space<vmem>>, vector<64x128xf32>
    tpu.vector_store %arg13[%swap3A_67, %swap3A_68], %add3A_66 {strides = array<i32>} : memref<64x128xf32, #tpu.memory_space<vmem>>, vector<64x128xf32>,
    %get3A_70 = arith.constant 0 : index
    %get3A_71 = arith.constant 0 : index
    %get3A_72 = vector.load %arg13[%get3A_70, %get3A_71] : memref<64x128xf32, #tpu.memory_space<vmem>>, vector<64x128xf32>
    %iota3A_73 = tpu.iota {dimensions = array<i32: 1>} : vector<64x128xi32>
    %lt3A = arith.constant 10 : i32
    %lt3A_74 = vector.broadcast %lt3A : i32 to vector<64x128xi32>
    %lt3A_75 = arith.cmpi slt, %iota3A_73, %lt3A_74 : vector<64x128xi32>
    %jit3A = arith.constant 0xFF800000 : f32
    %broadcast_in_dim3A_76 = vector.broadcast %jit3A : f32 to vector<64x128xf32>
    %select_n3A = arith.select %lt3A_75, %get3A_72, %broadcast_in_dim3A_76 : vector<64x128xi1>, vector<64x128xf32>
    %reduce_max3A = arith.constant dense<0xFF800000> : vector<64xf32>
    %reduce_max3A_77 = vector.multi_reduction <maximumf>, %select_n3A, %reduce_max3A [1] : vector<64x128xf32> to vector<64xf32>
    %broadcast_in_dim3A_78 = vector.shape_cast %reduce_max3A_77 : vector<64xf32> to vector<64x1xf32>
    %sub3A = vector.broadcast %broadcast_in_dim3A_78 : vector<64x1xf32> to vector<64x128xf32>
    %sub3A_79 = arith.subf %select_n3A, %sub3A : vector<64x128xf32>
    %exp3A = math.exp %sub3A_79 : vector<64x128xf32>
    %reduce_sum3A_80 = arith.constant dense<0.000000e+00> : vector<64xf32>
    %reduce_sum3A_81 = vector.multi_reduction <add>, %exp3A, %reduce_sum3A_80 [1] : vector<64x128xf32> to vector<64xf32>
    %broadcast_in_dim3A_82 = vector.shape_cast %reduce_sum3A_81 : vector<64xf32> to vector<64x1xf32>
    %sub3A_83 = vector.broadcast %broadcast_in_dim3A_78 : vector<64x1xf32> to vector<64x128xf32>
    %sub3A_84 = arith.subf %get3A_72, %sub3A_83 : vector<64x128xf32>
    %log3A = math.log %broadcast_in_dim3A_82 : vector<64x1xf32>
    %sub3A_85 = vector.broadcast %log3A : vector<64x1xf32> to vector<64x128xf32>
    %sub3A_86 = arith.subf %sub3A_84, %sub3A_85 : vector<64x128xf32>
    %slice3A_87 = vector.extract_strided_slice %sub3A_86 {offsets = [0, 0], sizes = [64, 10], strides = [1, 1]} : vector<64x128xf32> to vector<64x10xf32>
    %swap3A_88 = arith.constant 0 : index
    %swap3A_89 = arith.constant 0 : index
    %swap3A_90 = vector.load %arg12[%swap3A_88, %swap3A_89] : memref<64x10xf32, #tpu.memory_space<vmem>>, vector<64x10xf32>
    tpu.vector_store %arg12[%swap3A_88, %swap3A_89], %slice3A_87 {strides = array<i32>} : memref<64x10xf32, #tpu.memory_space<vmem>>, vector<64x10xf32>,
    return
  }
  func.func @transform_0(%arg0: i32) -> (i32, i32, i32) {
    %c0_i32 = arith.constant 0 : i32
    %c0_i32_0 = arith.constant 0 : i32
    %c0_i32_1 = arith.constant 0 : i32
    return %c0_i32, %arg0, %c0_i32_0 : i32, i32, i32
  }
  func.func @transform_1(%arg0: i32) -> (i32, i32) {
    %c0_i32 = arith.constant 0 : i32
    %c0_i32_0 = arith.constant 0 : i32
    return %arg0, %c0_i32 : i32, i32
  }
  func.func @transform_2(%arg0: i32) -> (i32, i32) {
    %c0_i32 = arith.constant 0 : i32
    %c0_i32_0 = arith.constant 0 : i32
    return %arg0, %c0_i32 : i32, i32
  }
  func.func @transform_3(%arg0: i32) -> (i32, i32) {
    %c0_i32 = arith.constant 0 : i32
    %c0_i32_0 = arith.constant 0 : i32
    %c0_i32_1 = arith.constant 0 : i32
    return %c0_i32, %c0_i32_0 : i32, i32
  }
  func.func @transform_4(%arg0: i32) -> (i32, i32) {
    %c0_i32 = arith.constant 0 : i32
    %c0_i32_0 = arith.constant 0 : i32
    %c0_i32_1 = arith.constant 0 : i32
    return %c0_i32, %c0_i32_0 : i32, i32
  }
  func.func @transform_5(%arg0: i32) -> (i32, i32) {
    %c0_i32 = arith.constant 0 : i32
    %c0_i32_0 = arith.constant 0 : i32
    %c0_i32_1 = arith.constant 0 : i32
    return %c0_i32, %c0_i32_0 : i32, i32
  }
  func.func @transform_6(%arg0: i32) -> (i32, i32) {
    %c0_i32 = arith.constant 0 : i32
    %c0_i32_0 = arith.constant 0 : i32
    %c0_i32_1 = arith.constant 0 : i32
    return %c0_i32, %c0_i32_0 : i32, i32
  }
  func.func @transform_7(%arg0: i32) -> (i32, i32, i32) {
    %c0_i32 = arith.constant 0 : i32
    %c0_i32_0 = arith.constant 0 : i32
    %c0_i32_1 = arith.constant 0 : i32
    return %arg0, %c0_i32, %c0_i32_0 : i32, i32, i32
  }
  func.func @transform_8(%arg0: i32) -> (i32, i32) {
    %c0_i32 = arith.constant 0 : i32
    %c0_i32_0 = arith.constant 0 : i32
    return %arg0, %c0_i32 : i32, i32
  }
  func.func @transform_9(%arg0: i32) -> (i32, i32) {
    %c0_i32 = arith.constant 0 : i32
    %c0_i32_0 = arith.constant 0 : i32
    return %arg0, %c0_i32 : i32, i32
  }
  func.func @transform_10(%arg0: i32) -> (i32, i32) {
    %c0_i32 = arith.constant 0 : i32
    %c0_i32_0 = arith.constant 0 : i32
    return %arg0, %c0_i32 : i32, i32
  }
  func.func @transform_11(%arg0: i32) -> (i32, i32) {
    %c0_i32 = arith.constant 0 : i32
    %c0_i32_0 = arith.constant 0 : i32
    %c0_i32_1 = arith.constant 0 : i32
    return %c0_i32, %c0_i32_0 : i32, i32
  }
}

</mosaic_0001>

<sc_bundles>
// kernel: kernel.11.cloned.1.call-start
scs
__scs_entry_jumppad:
0x0: {  	(pc) =	sbr.rel $0x88, $3  }
0x1: {  	(tag) =	ssettag $0x0;
	lr =	simm.s32 $0x1  }
0x2: {  	[smem:$0x3F96] =	sst lr;
	_ =	strace $0xD0000000  }
0x3: {  	_ = 	snop  }
0x4: {  	_ = 	snop  }
0x5: {  	_ = 	snop  }
0x6: {  	_ = 	snop  }
0x7: {  	_ = 	snop  }
__scs_overlays_trampoline_lowered:
0x8: {  	[smem:$0x3FA5] =	sst s0  }
0x9: {  	[smem:$0x3FA6] =	sst s1  }
0xa: {  	[smem:$0x3FA7] =	sst s2  }
0xb: {  	[smem:$0x3FA8] =	sst s3  }
0xc: {  	[smem:$0x3FA9] =	sst s4  }
0xd: {  	[smem:$0x3FAA] =	sst s5  }
0xe: {  	[smem:$0x3FAB] =	sst s6  }
0xf: {  	[smem:$0x3FAC] =	sst s7  }
0x10: {  	[smem:$0x3FAD] =	sst s8  }
0x11: {  	[smem:$0x3FAE] =	sst s9;
	s0 =	simm.s32 @!p0 $0x0  }
0x12: {  	s1 =	sld [smem:$0x3F94];
	s0 =	simm.s32 @p0 $0x1  }
0x13: {  	[smem:$0x3FAF] =	sst s0;
	s0 =	simm.s32 @!p1 $0x0  }
0x14: {  	s2 =	sld [smem:$0x3F93];
	s0 =	simm.s32 @p1 $0x1  }
0x15: {  	[smem:$0x3FB0] =	sst s0;
	s0 =	simm.s32 @!p2 $0x0  }
0x16: {  	s3 =	sld [smem:$0x3FDB];
	s0 =	simm.s32 @p2 $0x1  }
0x17: {  	s4 =	simm.s32 $0x1BF5;
	[smem:$0x3FB2] =	sst s0  }
0x18: {  	s0 =	sld [smem:$0x3F95];
	_ =	swait.ge [sflag:s4], $0x0  }
0x19: {  	s7 =	sld [smem:$0x3F96]  }
0x1a: {  	s8 =	sadd.s32 $0xFFFFE003, lr  }
0x1b: {  	s9 =	sadd.s32 $0xFFFFFEF7, lr;
	s5 =	simm.s32 $0xFFFFFFFF;
	p2 =	slt.u32 s8, $0xFFFFF086  }
0x1c: {  	p1 =	slt.u32 s9, $0xF7A;
	s5 =	simm.s32 @!p2 $0x0  }
0x1d: {  	s5 =	simm.s32 @p1 $0x1;
	p0 =	seq.s32 s7, s2  }
0x1e: {  	s7 =	smul.u32 @!p0 $0xF7A, s2;
	p2 =	seq.s32 @!p0 s5, $0x0  }
0x1f: {  	s9 =	smul.u32 $0xF7A, s1;
	s8 =	simm.s32 @!p0 $0x1BF5;
	p2 =	por !p2, p0  }
0x20: {  	[sflag:s8] =	ssyncset.s32 @!p0 $0xFFFFF086;
	s6 =	sadd.s32 @!p0 s3, s7;
	s7 =	simm.s32 @!p0 $0x108  }
0x21: {  	s3 =	sadd.s32 s3, s9;
	s6 =	sadd.s32 @!p0 $0x88, s6;
	s7 =	simm.s32 @p2 $0x1082  }
0x22: {  	[simem:s7], [sflag:s8] =	dma.local @!p0 [hbm:s6], $0xF7A  }
0x23: {  	s9 =	sor.u32 $0xD0000000, s2;
	s6 =	simm.s32 $0x108;
	_ =	swait.ge @!p0 [sflag:s8], $0x0  }
0x24: {  	s3 =	sadd.s32 $0x88, s3;
	s6 =	simm.s32 @!p1 $0x1082;
	[sflag:s4] =	ssyncset.s32 $0xFFFFF086  }
0x25: {  	[simem:s6], [sflag:s4] =	dma.local [hbm:s3], $0xF7A  }
0x26: {  	[smem:$0x3F96] =	sst s1;
	(tag) =	ssettag s2;
	_ =	strace s9  }
0x27: {  	s1 =	sld [smem:$0x3FA6]  }
0x28: {  	s2 =	sld [smem:$0x3FA7]  }
0x29: {  	s4 =	sld [smem:$0x3FA9]  }
0x2a: {  	p0 =	seq.s32 s5, $0x0;
	s5 =	sld [smem:$0x3FAA]  }
0x2b: {  	s6 =	sld [smem:$0x3FAB]  }
0x2c: {  	s7 =	sld [smem:$0x3FAC]  }
0x2d: {  	s3 =	simm.s32 $0x108;
	s8 =	sld [smem:$0x3FAD]  }
0x2e: {  	s3 =	simm.s32 @!p0 $0x1082;
	s9 =	sld [smem:$0x3FAE]  }
0x2f: {  	lr =	sadd.s32 s0, s3;
	s0 =	sld [smem:$0x3FA5]  }
0x30: {  	s3 =	sld [smem:$0x3FA8]  }
0x31: {  	[smem:$0x3FB1] =	sst s10  }
0x32: {  	s10 =	sld [smem:$0x3FAF];
	_ =	sdelay $0x3  }
0x33: {  	p0 =	seq.s32 s10, $0x1;
	s10 =	sld [smem:$0x3FB1];
	_ =	sdelay $0x3  }
0x34: {  	[smem:$0x3FB1] =	sst s10  }
0x35: {  	s10 =	sld [smem:$0x3FB0];
	_ =	sdelay $0x3  }
0x36: {  	p1 =	seq.s32 s10, $0x1;
	s10 =	sld [smem:$0x3FB1];
	_ =	sdelay $0x3  }
0x37: {  	[smem:$0x3FB1] =	sst s10  }
0x38: {  	s10 =	sld [smem:$0x3FB2]  }
0x39: {  	_ = 	snop;
	(pc) =	sbr.ind lr, $3  }
0x3a: {  	_ = 	snop  }
0x3b: {  	_ = 	snop  }
0x3c: {  	p2 =	seq.s32 s10, $0x1;
	s10 =	sld [smem:$0x3FB1]  }
0x3d: {  	_ =	shalt  }
0x3e: {  	_ =	shalt  }
0x3f: {  	_ =	shalt  }
0x40: {  	_ =	shalt  }
0x41: {  	_ =	shalt  }
0x42: {  	_ =	shalt  }
0x43: {  	_ =	shalt  }
0x44: {  	_ =	shalt  }
0x45: {  	_ =	shalt  }
0x46: {  	_ =	shalt  }
0x47: {  	_ =	shalt  }
0x48: {  	_ =	shalt  }
0x49: {  	_ =	shalt  }
0x4a: {  	_ =	shalt  }
0x4b: {  	_ =	shalt  }
0x4c: {  	_ =	shalt  }
0x4d: {  	_ =	shalt  }
0x4e: {  	_ =	shalt  }
0x4f: {  	_ =	shalt  }
0x50: {  	_ =	shalt  }
0x51: {  	_ =	shalt  }
0x52: {  	_ =	shalt  }
0x53: {  	_ =	shalt  }
0x54: {  	_ =	shalt  }
0x55: {  	_ =	shalt  }
0x56: {  	_ =	shalt  }
0x57: {  	_ =	shalt  }
0x58: {  	_ =	shalt  }
0x59: {  	_ =	shalt  }
0x5a: {  	_ =	shalt  }
0x5b: {  	_ =	shalt  }
0x5c: {  	_ =	shalt  }
0x5d: {  	_ =	shalt  }
0x5e: {  	_ =	shalt  }
0x5f: {  	_ =	shalt  }
0x60: {  	_ =	shalt  }
0x61: {  	_ =	shalt  }
0x62: {  	_ =	shalt  }
0x63: {  	_ =	shalt  }
0x64: {  	_ =	shalt  }
0x65: {  	_ =	shalt  }
0x66: {  	_ =	shalt  }
0x67: {  	_ =	shalt  }
0x68: {  	_ =	shalt  }
0x69: {  	_ =	shalt  }
0x6a: {  	_ =	shalt  }
0x6b: {  	_ =	shalt  }
0x6c: {  	_ =	shalt  }
0x6d: {  	_ =	shalt  }
0x6e: {  	_ =	shalt  }
0x6f: {  	_ =	shalt  }
0x70: {  	_ =	shalt  }
0x71: {  	_ =	shalt  }
0x72: {  	_ =	shalt  }
0x73: {  	_ =	shalt  }
0x74: {  	_ =	shalt  }
0x75: {  	_ =	shalt  }
0x76: {  	_ =	shalt  }
0x77: {  	_ =	shalt  }
0x78: {  	_ =	shalt  }
0x79: {  	_ =	shalt  }
0x7a: {  	_ =	shalt  }
0x7b: {  	_ =	shalt  }
0x7c: {  	_ =	shalt  }
0x7d: {  	_ =	shalt  }
0x7e: {  	_ =	shalt  }
0x7f: {  	_ =	shalt  }
0x80: {  	_ =	shalt  }
0x81: {  	_ =	shalt  }
0x82: {  	_ =	shalt  }
0x83: {  	_ =	shalt  }
0x84: {  	_ =	shalt  }
0x85: {  	_ =	shalt  }
0x86: {  	_ =	shalt  }
0x87: {  	_ =	shalt  }
.Lfunc_end0:
.L_simem_size_0:
called_computation.1_lowered:
.L_overlay_start_0:
0x88: {  	s2 =	sld [smem:$0x3FD9]  }
0x89: {  	s3 =	sld [smem:$0x3FFE];
	_ =	sdelay $0x1  }
0x8a: {  	s1 =	srdreg.scid  }
0x8b: {  	s0 =	sand.u32 $0x1, s1  }
0x8c: {  	s14 =	sshll.u32 s0, $0xA;
	s2 =	sadd.s32 s3, s2  }
0x8d: {  	s2 =	sadd.s32 s2, s14  }
0x8e: {  	[smem:$0x3FBD] =	sst s2  }
0x8f: {  	_ = 	snop  }
0x90: {  	s2 =	sld [smem:$0x3FD0];
	_ =	sdelay $0x2  }
0x91: {  	s15 =	simm.s32 $0xA;
	s4 =	simm.s32 $0x10  }
0x92: {  	[smem:s4], [sflag:s15] =	dma.local [hbm:s2], $0x1  }
0x93: {  	_ =	swait.eq [sflag:s15], $0x1  }
0x94: {  	[sflag:s15] =	ssyncset.done $0x0  }
0x95: {  	s16 =	sld [smem:$0x11];
	[sflag:s15] =	ssyncadd.s32 $0xFFFFFFFF  }
0x96: {  	s17 =	sld [smem:$0x13];
	(tm) =	ssettm $0x1  }
0x97: {  	s18 =	sld [smem:$0x3FFB];
	_ =	sdelay $0x3  }
0x98: {  	_ =	strace s18  }
0x99: {  	s4 =	sld [smem:$0x3FFC];
	_ =	sdelay $0x3  }
0x9a: {  	_ =	strace s4  }
0x9b: {  	s4 =	sld [smem:$0x3FFD];
	_ =	sdelay $0x3  }
0x9c: {  	_ =	strace s4  }
0x9d: {  	_ =	strace $0x8FFFFFFF  }
0x9e: {  	s19 =	sld [smem:$0x3FDB];
	_ =	sdelay $0x1  }
0x9f: {  	s5 =	simm.s32 $_scs_section_size  }
0xa0: {  	s6 =	simm.s32 $_size__tile_overlayer_lowered;
	s7 =	simm.s32 $_tile_overlayer_lowered  }
0xa1: {  	s22 =	simm.s32 $0x1BFF;
	s21 =	sshll.u32 s7, $0x1;
	s4 =	sadd.s32 s5, s19  }
0xa2: {  	s8 =	simm.s32 $0x0;
	s20 =	sshll.u32 s6, $0x1;
	s6 =	sadd.s32 s21, s4  }
0xa3: {  	[timem:s8], [sflag:s22] =	dma.local [hbm:s6], s20  }
0xa4: {  	_ =	swait.ge [sflag:s22], s20  }
0xa5: {  	s5 =	ssub.s32 $0x0, s20;
	[sflag:s22] =	ssyncset.done $0x0  }
0xa6: {  	[sflag:s22] =	ssyncadd.s32 s5;
	_ =	sdelay $0x1  }
0xa7: {  	s23 =	simm.s32 $0x1B8B  }
0xa8: {  	_ =	swait.ge [sflag:s23], $0x1  }
0xa9: {  	[sflag:s23] =	ssyncset.done $0x0  }
0xaa: {  	s25 =	simm.s32 $0x1B8E;
	s24 =	sld [smem:$0x3FFE];
	[sflag:s23] =	ssyncadd.s32 $0xFFFFFFFF  }
0xab: {  	s26 =	simm.s32 $execute0_lowered;
	[smem:$0x3FD2] =	sst s25  }
0xac: {  	s6 =	sshll.u32 s26, $0x1;
	_ =	strace $0x80000049;
	[dreg:$0x1] =	wrdreg $0xFFFFFFFF  }
0xad: {  	s28 =	simm.s32 $_size_execute0_lowered;
	s4 =	sadd.s32 s4, s6;
	[dreg:$0x0] =	wrdreg $0x0  }
0xae: {  	s6 =	sshll.u32 s28, $0x1;
	[dreg:$0x2] =	wrdreg s4  }
0xaf: {  	[dreg:$0x3] =	wrdreg s6  }
0xb0: {  	[dreg:$0x4] =	wrdreg $0xC0  }
0xb1: {  	_ =	task [dreg:s8], $0x5FFFF  }
0xb2: {  	[dreg:$0x1] =	wrdreg $0xFFFFFFFF  }
0xb3: {  	[dreg:$0x0] =	wrdreg $0x60  }
0xb4: {  	[dreg:$0x2] =	wrdreg s16  }
0xb5: {  	[dreg:$0x3] =	wrdreg s24  }
0xb6: {  	[dreg:$0x4] =	wrdreg s17  }
0xb7: {  	[dreg:$0x5] =	wrdreg $0x84000  }
0xb8: {  	[dreg:$0x6] =	wrdreg $0x9  }
0xb9: {  	_ =	task.clear_ibuf [dreg:s8], $0x7FFFF;
	_ =	strace $0x90000049  }
0xba: {  	s29 =	simm.s32 $0x9;
	_ =	strace $0x8000004B  }
0xbb: {  	_ =	swait.ge [sflag:s29], $0x1  }
0xbc: {  	[sflag:s29] =	ssyncadd.s32 $0xFFFFFFFF  }
0xbd: {  	_ =	strace $0x9000004B  }
0xbe: {  	_ =	sfence  }
0xbf: {  	s30 =	sld [smem:$0x0];
	_ =	sdelay $0x2  }
0xc0: {  	s31 =	sshll.u32 s1, $0xD;
	s1 =	sshrl.u32 s1, $0x2  }
0xc1: {  	s3 =	sand.u32 $0x4000, s31;
	s1 =	sadd.s32 s1, s30  }
0xc2: {  	s0 =	sor.u32 s3, s0;
	s1 =	sshll.u32 s1, $0x11  }
0xc3: {  	s0 =	sor.u32 s1, s0  }
0xc4: {  	s0 =	sadd.s32 $0x8F2B, s0  }
0xc5: {  	[sflag:s0] =	ssyncadd.remote.s32 $0x1  }
0xc6: {  	_ =	sfence.sel $0xFFFF  }
0xc7: {  	[dreg:$0x0] =	wrdreg $0xFFFFFFFF;
	(pc) =	sbr.abs _section_cstart, $3  }
0xc8: {  	[dreg:$0x1] =	wrdreg $0xFFFFFFFF  }
0xc9: {  	_ =	task.clear_ibuf [dreg:s8], $0x2FFFF;
	_ =	strace $0x9FFFFFFF  }
0xca: {  	(tm) =	ssettm $0x7FFFFFFF  }
0xcb: {  	_ =	shalt  }
tec
execute0_lowered:
.L_overlay_start_1:
0x0: {  	(tag) =	ssettag $0x1  }
0x1: {  	s1 =	rddreg [dreg:$0x0]  }
0x2: {  	s0 =	rddreg [dreg:$0x1]  }
0x3: {  	s3 =	rddreg [dreg:$0x3]  }
0x4: {  	s4 =	simm.s32 $0x0;
	s2 =	srdreg.scid;
	s12 =	stileid.u32  }
0x5: {  	s28 =	simm.s32 $0x280;
	s29 =	simm.s32 $0x100;
	s30 =	simm.s32 $0x300  }
0x6: {  	s31 =	simm.s32 $0x1;
	[smem:$0x7FF] =	sst s4;
	s2 =	sand.u32 $0x1, s2  }
0x7: {  	s5 =	sadd.s32 $0x52800, s0;
	s7 =	sshll.u32 s12, $0x1;
	s9 =	smul.u32 $0x4E000, s12  }
0x8: {  	s10 =	sadd.s32 $0x5C800, s0;
	s15 =	smul.u32 $0x5000, s12;
	s16 =	sadd.s32 $0x124800, s3  }
0x9: {  	p0 =	seq.s32 s12, $0xF;
	_ =	strace $0x8000004A;
	s6 =	smul.u32 $0x27100, s2  }
0xa: {  	s8 =	ssub.s32 $0x2, s2;
	s7 =	sor.u32 s2, s7;
	s2 =	smul.u32 $0x2800, s2  }
0xb: {  	[dreg:$0x6] =	wrdreg s16;
	s11 =	sshrl.u32 s8, $0x1;
	s7 =	smul.u32 $0x2800, s7  }
0xc: {  	s14 =	sshrl.u32 s9, $0x2;
	s0 =	sadd.s32 s6, s0;
	s13 =	ssub.s32 s8, s11  }
0xd: {  	s8 =	sadd.s32 s14, s3;
	s2 =	sadd.s32 s2, s15;
	s11 =	simm.s32 $0xA  }
0xe: {  	s15 =	simm.s32 $0xB;
	s14 =	simm.s32 $0x4;
	[dreg:$0x5] =	wrdreg s8  }
0xf: {  	s7 =	sshrl.u32 s7, $0x3;
	s22 =	sor.u32 $0x300, s2;
	s8 =	sadd.s32 $0x2800, s0  }
0x10: {  	s0 =	smul.u32 $0x2700, s12;
	s6 =	smax.u32 s13, $0x1;
	s24 =	sor.u32 $0x280, s2  }
0x11: {  	s25 =	sor.u32 $0x200, s2;
	s2 =	sor.u32 $0x180, s2;
	[dreg:$0xe] =	wrdreg s6  }
0x12: {  	s12 =	simm.s32 $0x3;
	s18 =	sadd.s32 s5, s7;
	[dreg:$0xd] =	wrdreg s8  }
0x13: {  	s17 =	sor.u32 $0x10, s7;
	s19 =	sadd.s32 s10, s7;
	[dreg:$0x7] =	wrdreg s18  }
0x14: {  	s13 =	simm.s32 $0x7;
	[dreg:$0x8] =	wrdreg s19;
	s20 =	sadd.s32 s5, s17  }
0x15: {  	s7 =	sor.u32 $0x20, s7;
	s9 =	sadd.s32 s10, s17;
	[dreg:$0x9] =	wrdreg s20  }
0x16: {  	s6 =	sshrl.u32 s24, $0x3;
	s21 =	sadd.s32 s5, s7;
	[dreg:$0xa] =	wrdreg s9  }
0x17: {  	s2 =	sshrl.u32 s2, $0x3;
	s7 =	sadd.s32 s10, s7;
	[dreg:$0xb] =	wrdreg s21  }
0x18: {  	s24 =	simm.s32 $0xC;
	s26 =	sadd.s32 s6, s10;
	[dreg:$0xc] =	wrdreg s7  }
0x19: {  	s6 =	sadd.s32 s6, s5;
	s0 =	sadd.s32 @!p0 s0, s8;
	[dreg:$0x11] =	wrdreg s26  }
0x1a: {  	s8 =	simm.s32 $0x4400;
	s18 =	simm.s32 $0x0;
	[dreg:$0x12] =	wrdreg s6  }
0x1b: {  	s7 =	sshrl.u32 s22, $0x3;
	s22 =	sadd.s32 s2, s10;
	[dreg:$0x13] =	wrdreg s0  }
0x1c: {  	s26 =	simm.s32 $0x80;
	s0 =	simm.s32 $0x5;
	s23 =	sadd.s32 s7, s10  }
.Ltmp0:
0x1d: {  	s7 =	sadd.s32 s7, s5;
	[dreg:$0xf] =	wrdreg s23;
	(pc) =	sbr.rel .LBB2_1-.Ltmp0, $4  }
0x1e: {  	s6 =	simm.s32 $0x2;
	s9 =	simm.s32 $0x180;
	[dreg:$0x10] =	wrdreg s7  }
0x1f: {  	s7 =	sshrl.u32 s25, $0x3;
	s23 =	sadd.s32 s2, s5;
	s2 =	simm.s32 $0x9  }
0x20: {  	s25 =	simm.s32 $0x8;
	s20 =	sadd.s32 s7, s10;
	s21 =	sadd.s32 s7, s5  }
0x21: {  	s5 =	simm.s32 $0x400;
	s7 =	simm.s32 $0x6;
	s10 =	simm.s32 $0x380  }
.LBB2_4:
0x22: {  	_ =	swait.ge [sflag:s11], $0x4000  }
0x23: {  	[sflag:s11] =	ssyncset.done $0x0  }
0x24: {  	[sflag:s11] =	ssyncadd.s32 $0xFFFFC000  }
0x25: {  	[spmem:s3] =	stream.indirect.scatter.add.f32 [tilespmem:s8], [sflag:$0xC], $0x80, s10, s26, $0xb8;
	[tilespmem:$0x1C400] =	vst v63  }
0x26: {  	_ =	swait.ge [sflag:s15], $0x4000  }
0x27: {  	[sflag:s15] =	ssyncset.done $0x0  }
0x28: {  	[sflag:s15] =	ssyncadd.s32 $0xFFFFC000  }
0x29: {  	_ =	swait.ge [sflag:s24], $0x4000  }
0x2a: {  	[sflag:s24] =	ssyncset.done $0x0  }
0x2b: {  	[sflag:s24] =	ssyncadd.s32 $0xFFFFC000  }
0x2c: {  	[bflag:$0x0] =	sbarrier.arrive $0xFFFF  }
0x2d: {  	s16 =	rddreg [dreg:$0xd]  }
0x2e: {  	s17 =	simm.s32 @p0 $0x1FCD;
	s18 =	rddreg [dreg:$0x15];
	s16 =	sadd.s32 @p0 $0x24900, s16  }
0x2f: {  	[hbm:s16], [sflag:s17] =	dma.local @p0 [spmem:s18], $0x2800  }
0x30: {  	s16 =	simm.s32 @p0 $0xD  }
0x31: {  	_ =	swait.ge @p0 [sflag:s16], $0x2800  }
0x32: {  	s17 =	rddreg [dreg:$0x16]  }
0x33: {  	[sflag:s16] =	ssyncset.done @p0 $0x0;
	s18 =	rddreg [dreg:$0x17]  }
0x34: {  	[sflag:s16] =	ssyncadd.s32 @p0 $0xFFFFD800;
	s16 =	rddreg [dreg:$0x13]  }
0x35: {  	[hbm:s16], [sflag:s17] =	dma.local @!p0 [spmem:s18], $0x2700  }
0x36: {  	s16 =	simm.s32 @!p0 $0xD  }
0x37: {  	_ =	swait.ge @!p0 [sflag:s16], $0x2700  }
0x38: {  	s17 =	rddreg [dreg:$0x14]  }
0x39: {  	s19 =	rddreg [dreg:$0xe];
	s18 =	sadd.s32 $0x1, s17  }
0x3a: {  	p1 =	sne.s32 s18, s19  }
.Ltmp1:
0x3b: {  	_ = 	snop;
	(pc) =	sbr.rel @!p1 .LBB2_5-.Ltmp1, $3  }
0x3c: {  	_ =	sdelay $0x1  }
0x3d: {  	[sflag:s16] =	ssyncset.done @!p0 $0x0  }
0x3e: {  	[sflag:s16] =	ssyncadd.s32 @!p0 $0xFFFFD900  }
.LBB2_1:
0x3f: {  	[dreg:$0x14] =	wrdreg s18  }
0x40: {  	s16 =	rddreg [dreg:$0x6]  }
0x41: {  	s17 =	rddreg [dreg:$0x2];
	s18 =	sshrl.u32 @p0 s16, $0x3  }
0x42: {  	s16 =	simm.s32 @p0 $0x1FCD;
	[dreg:$0x15] =	wrdreg s18  }
0x43: {  	[spmem:s18], [sflag:s16] =	dma.local @p0 [hbm:s17], $0x2800  }
0x44: {  	s18 =	simm.s32 @p0 $0xD  }
0x45: {  	s16 =	stileid.u32;
	_ =	swait.ge @p0 [sflag:s18], $0x2800  }
0x46: {  	s16 =	sshll.u32 @!p0 s16, $0x6;
	[sflag:s18] =	ssyncset.done @p0 $0x0  }
0x47: {  	[sflag:s18] =	ssyncadd.s32 @p0 $0xFFFFD800;
	s18 =	sor.u32 @!p0 $0x1C0D, s16;
	s16 =	rddreg [dreg:$0x5]  }
0x48: {  	s16 =	sshrl.u32 @!p0 s16, $0x3;
	[dreg:$0x16] =	wrdreg s18  }
0x49: {  	[dreg:$0x17] =	wrdreg s16  }
0x4a: {  	[spmem:s16], [sflag:s18] =	dma.local @!p0 [hbm:s17], $0x2700  }
0x4b: {  	s16 =	simm.s32 @!p0 $0xD  }
0x4c: {  	_ =	swait.ge @!p0 [sflag:s16], $0x2700  }
0x4d: {  	[sflag:s16] =	ssyncset.done @!p0 $0x0  }
0x4e: {  	[sflag:s16] =	ssyncadd.s32 @!p0 $0xFFFFD900  }
0x4f: {  	[bflag:$0x0] =	sbarrier.arrive $0xFFFF  }
0x50: {  	s19 =	rddreg [dreg:$0x7]  }
0x51: {  	[tilespmem:s4], [sflag:$0x1] =	stream.linear.gather [hbm4b:s19+s4], $0x80, $0x38;
	[tilespmem:$0x1C400] =	vst v63  }
0x52: {  	s18 =	simm.s32 $0x200;
	s17 =	rddreg [dreg:$0x8]  }
0x53: {  	[tilespmem:s18], [sflag:$0x5] =	stream.linear.gather [hbm4b:s17+s4], $0x80, $0x38;
	[tilespmem:$0x1C400] =	vst v63  }
0x54: {  	s19 =	rddreg [dreg:$0x9]  }
0x55: {  	[tilespmem:s26], [sflag:$0x2] =	stream.linear.gather [hbm4b:s19+s4], $0x80, $0x38;
	[tilespmem:$0x1C400] =	vst v63  }
0x56: {  	s17 =	rddreg [dreg:$0xa]  }
0x57: {  	[tilespmem:s28], [sflag:$0x6] =	stream.linear.gather [hbm4b:s17+s4], $0x80, $0x38;
	[tilespmem:$0x1C400] =	vst v63  }
0x58: {  	s18 =	rddreg [dreg:$0xb]  }
0x59: {  	[tilespmem:s29], [sflag:$0x3] =	stream.linear.gather [hbm4b:s18+s4], $0x80, $0x38;
	[tilespmem:$0x1C400] =	vst v63  }
0x5a: {  	s19 =	rddreg [dreg:$0xc]  }
0x5b: {  	[tilespmem:s30], [sflag:$0x7] =	stream.linear.gather [hbm4b:s19+s4], $0x80, $0x38;
	[tilespmem:$0x1C400] =	vst v63  }
0x5c: {  	_ =	swait.ge [sflag:s31], $0x80  }
0x5d: {  	[sflag:s31] =	ssyncset.done $0x0  }
0x5e: {  	[sflag:s31] =	ssyncadd.s32 $0xFFFFFF80  }
0x5f: {  	_ =	swait.ge [sflag:s0], $0x80  }
0x60: {  	[sflag:s0] =	ssyncset.done $0x0  }
0x61: {  	s16 =	simm.s32 $0x0;
	[sflag:s0] =	ssyncadd.s32 $0xFFFFFF80  }
0x62: {  	[tilespmem:s5], [sflag:$0x9] =	stream.indirect.gather [hbm4b:s1+s26], $0x80, s4, s26, $0xb8;
	[tilespmem:$0x1C400] =	vst v63  }
.LBB2_2:
0x63: {  	_ =	swait.ge [sflag:s2], $0x4000  }
0x64: {  	[sflag:s2] =	ssyncset.done $0x0  }
0x65: {  	s17 =	simm.s32 $0x200;
	[sflag:s2] =	ssyncadd.s32 $0xFFFFC000  }
0x66: {  	[spmem:s3] =	stream.indirect.scatter.add.f32 [tilespmem:s5], [sflag:$0xB], $0x80, s17, s26, $0xb8;
	[tilespmem:$0x1C400] =	vst v63  }
0x67: {  	_ =	swait.ge [sflag:s6], $0x80  }
0x68: {  	[sflag:s6] =	ssyncset.done $0x0  }
0x69: {  	[sflag:s6] =	ssyncadd.s32 $0xFFFFFF80  }
0x6a: {  	_ =	swait.ge [sflag:s7], $0x80  }
0x6b: {  	p1 =	seq.s32 s16, $0x0;
	[sflag:s7] =	ssyncset.done $0x0  }
0x6c: {  	s17 =	simm.s32 @!p1 $0xC;
	[sflag:s7] =	ssyncadd.s32 $0xFFFFFF80  }
0x6d: {  	_ =	swait.ge @!p1 [sflag:s17], $0x4000  }
0x6e: {  	[sflag:s17] =	ssyncset.done @!p1 $0x0  }
0x6f: {  	[sflag:s17] =	ssyncadd.s32 @!p1 $0xFFFFC000  }
0x70: {  	[tilespmem:s8], [sflag:$0xA] =	stream.indirect.gather [hbm4b:s1+s26], $0x80, s26, s26, $0xb8;
	[tilespmem:$0x1C400] =	vst v63  }
0x71: {  	s18 =	sadd.s32 s16, s23  }
0x72: {  	[tilespmem:s9], [sflag:$0x4] =	stream.linear.gather [hbm4b:s18+s4], $0x80, $0x38;
	[tilespmem:$0x1C400] =	vst v63  }
0x73: {  	s19 =	sadd.s32 s16, s22  }
0x74: {  	[tilespmem:s10], [sflag:$0x8] =	stream.linear.gather [hbm4b:s19+s4], $0x80, $0x38;
	[tilespmem:$0x1C400] =	vst v63  }
0x75: {  	_ =	swait.ge [sflag:s11], $0x4000  }
0x76: {  	[sflag:s11] =	ssyncset.done $0x0  }
0x77: {  	[sflag:s11] =	ssyncadd.s32 $0xFFFFC000  }
0x78: {  	[spmem:s3] =	stream.indirect.scatter.add.f32 [tilespmem:s8], [sflag:$0xC], $0x80, s28, s26, $0xb8;
	[tilespmem:$0x1C400] =	vst v63  }
0x79: {  	_ =	swait.ge [sflag:s12], $0x80  }
0x7a: {  	[sflag:s12] =	ssyncset.done $0x0  }
0x7b: {  	[sflag:s12] =	ssyncadd.s32 $0xFFFFFF80  }
0x7c: {  	_ =	swait.ge [sflag:s13], $0x80  }
0x7d: {  	[sflag:s13] =	ssyncset.done $0x0  }
0x7e: {  	[sflag:s13] =	ssyncadd.s32 $0xFFFFFF80  }
0x7f: {  	_ =	swait.ge [sflag:s15], $0x4000  }
0x80: {  	[sflag:s15] =	ssyncset.done $0x0  }
0x81: {  	p1 =	seq.s32 s16, $0x4C0;
	[sflag:s15] =	ssyncadd.s32 $0xFFFFC000  }
0x82: {  	[tilespmem:s5], [sflag:$0x9] =	stream.indirect.gather [hbm4b:s1+s26], $0x80, s29, s26, $0xb8;
	[tilespmem:$0x1C400] =	vst v63  }
0x83: {  	s17 =	sadd.s32 @!p1 s16, s21;
	s18 =	simm.s32 @!p1 $0x0  }
0x84: {  	[tilespmem:s18], [sflag:$0x1] =	stream.linear.gather @!p1 [hbm4b:s17+s18], $0x80, $0x38;
	[tilespmem:$0x1C400] =	vst v63  }
0x85: {  	s19 =	simm.s32 @!p1 $0x200;
	s17 =	sadd.s32 @!p1 s16, s20  }
0x86: {  	[tilespmem:s19], [sflag:$0x5] =	stream.linear.gather @!p1 [hbm4b:s17+s18], $0x80, $0x38;
	[tilespmem:$0x1C400] =	vst v63  }
0x87: {  	_ =	swait.ge [sflag:s2], $0x4000  }
0x88: {  	[sflag:s2] =	ssyncset.done $0x0  }
0x89: {  	[sflag:s2] =	ssyncadd.s32 $0xFFFFC000  }
0x8a: {  	[spmem:s3] =	stream.indirect.scatter.add.f32 [tilespmem:s5], [sflag:$0xB], $0x80, s30, s26, $0xb8;
	[tilespmem:$0x1C400] =	vst v63  }
0x8b: {  	_ =	swait.ge [sflag:s14], $0x80  }
0x8c: {  	[sflag:s14] =	ssyncset.done $0x0  }
0x8d: {  	[sflag:s14] =	ssyncadd.s32 $0xFFFFFF80  }
0x8e: {  	_ =	swait.ge [sflag:s25], $0x80  }
0x8f: {  	[sflag:s25] =	ssyncset.done $0x0  }
.Ltmp2:
0x90: {  	[sflag:s25] =	ssyncadd.s32 $0xFFFFFF80;
	(pc) =	sbr.rel @p1 .LBB2_4-.Ltmp2, $4  }
0x91: {  	_ =	swait.ge [sflag:s24], $0x4000  }
0x92: {  	[sflag:s24] =	ssyncset.done $0x0  }
0x93: {  	[sflag:s24] =	ssyncadd.s32 $0xFFFFC000  }
0x94: {  	[tilespmem:s8], [sflag:$0xA] =	stream.indirect.gather [hbm4b:s1+s26], $0x80, s9, s26, $0xb8;
	[tilespmem:$0x1C400] =	vst v63  }
0x95: {  	s17 =	rddreg [dreg:$0x12]  }
0x96: {  	s19 =	rddreg [dreg:$0x11];
	s17 =	sadd.s32 s16, s17  }
0x97: {  	[tilespmem:s26], [sflag:$0x2] =	stream.linear.gather [hbm4b:s17+s4], $0x80, $0x38;
	[tilespmem:$0x1C400] =	vst v63  }
0x98: {  	s17 =	sadd.s32 s16, s19  }
0x99: {  	[tilespmem:s28], [sflag:$0x6] =	stream.linear.gather [hbm4b:s17+s4], $0x80, $0x38;
	[tilespmem:$0x1C400] =	vst v63  }
0x9a: {  	_ =	swait.ge [sflag:s11], $0x4000  }
0x9b: {  	[sflag:s11] =	ssyncset.done $0x0  }
0x9c: {  	[sflag:s11] =	ssyncadd.s32 $0xFFFFC000  }
0x9d: {  	[spmem:s3] =	stream.indirect.scatter.add.f32 [tilespmem:s8], [sflag:$0xC], $0x80, s10, s26, $0xb8;
	[tilespmem:$0x1C400] =	vst v63  }
0x9e: {  	_ =	swait.ge [sflag:s31], $0x80  }
0x9f: {  	[sflag:s31] =	ssyncset.done $0x0  }
0xa0: {  	[sflag:s31] =	ssyncadd.s32 $0xFFFFFF80  }
0xa1: {  	_ =	swait.ge [sflag:s0], $0x80  }
0xa2: {  	[sflag:s0] =	ssyncset.done $0x0  }
0xa3: {  	[sflag:s0] =	ssyncadd.s32 $0xFFFFFF80  }
0xa4: {  	_ =	swait.ge [sflag:s15], $0x4000  }
0xa5: {  	[sflag:s15] =	ssyncset.done $0x0  }
0xa6: {  	[sflag:s15] =	ssyncadd.s32 $0xFFFFC000  }
0xa7: {  	[tilespmem:s5], [sflag:$0x9] =	stream.indirect.gather [hbm4b:s1+s26], $0x80, s4, s26, $0xb8;
	[tilespmem:$0x1C400] =	vst v63  }
.Ltmp3:
0xa8: {  	s18 =	rddreg [dreg:$0x10];
	(pc) =	sbr.rel .LBB2_2-.Ltmp3, $4  }
0xa9: {  	s19 =	rddreg [dreg:$0xf];
	s17 =	sadd.s32 s16, s18  }
0xaa: {  	[tilespmem:s29], [sflag:$0x3] =	stream.linear.gather [hbm4b:s17+s4], $0x80, $0x38;
	[tilespmem:$0x1C400] =	vst v63  }
0xab: {  	s17 =	sadd.s32 s16, s19;
	s16 =	sadd.s32 $0x40, s16  }
0xac: {  	[tilespmem:s30], [sflag:$0x7] =	stream.linear.gather [hbm4b:s17+s4], $0x80, $0x38;
	[tilespmem:$0x1C400] =	vst v63  }
.LBB2_5:
0xad: {  	_ =	sfence.sel $0x180000  }
0xae: {  	[bflag:$0x0] =	sbarrier.arrive $0xFFFF  }
0xaf: {  	_ =	strace $0x9000004A  }
0xb0: {  	s0 =	stileid.u32;
	[bflag:$0x2] =	sbarrier.arrive $0xFFFF  }
0xb1: {  	p0 =	sne.s32 s0, $0x0;
	s0 =	rddreg [dreg:$0x4]  }
0xb2: {  	s0 =	sadd.s32 @!p0 $0x100000, s0  }
0xb3: {  	[sflag:s0] =	ssyncadd.tile.s32 @!p0 $0x1;
	_ =	shalt  }
.Lfunc_end2:
_tile_overlayer_lowered:
.L_overlay_start_2:
0xb4: {  	(tag) =	ssettag $0x2  }
0xb5: {  	s0 =	rddreg [dreg:$0x0];
	s2 =	stileid.u32  }
0xb6: {  	s1 =	rddreg [dreg:$0x1];
	p0 =	sne.s32 s2, $0x0  }
0xb7: {  	s3 =	rddreg [dreg:$0x2];
	[bflag:$0x3] =	sbarrier.arrive $0xFFFF;
	s2 =	simm.s32 @!p0 $0x1C0D  }
0xb8: {  	[timem:s3], [sflag:s2] =	dma.local @!p0 [hbm:s0], s1  }
0xb9: {  	s0 =	simm.s32 @!p0 $0xD  }
0xba: {  	_ =	swait.ge @!p0 [sflag:s0], s1  }
0xbb: {  	s1 =	ssub.s32 @!p0 $0x0, s1;
	[sflag:s0] =	ssyncset.done @!p0 $0x0  }
0xbc: {  	[sflag:s0] =	ssyncadd.s32 @!p0 s1  }
0xbd: {  	[bflag:$0x3] =	sbarrier.arrive $0xFFFF  }
0xbe: {  	_ =	shalt  }

// kernel: kernel.14.cloned.1.call-start
scs
__scs_entry_jumppad:
0x0: {  	(pc) =	sbr.rel $0x88, $3  }
0x1: {  	(tag) =	ssettag $0x0;
	lr =	simm.s32 $0x1  }
0x2: {  	[smem:$0x3F96] =	sst lr;
	_ =	strace $0xD0000000  }
0x3: {  	_ = 	snop  }
0x4: {  	_ = 	snop  }
0x5: {  	_ = 	snop  }
0x6: {  	_ = 	snop  }
0x7: {  	_ = 	snop  }
__scs_overlays_trampoline_lowered:
0x8: {  	[smem:$0x3FA5] =	sst s0  }
0x9: {  	[smem:$0x3FA6] =	sst s1  }
0xa: {  	[smem:$0x3FA7] =	sst s2  }
0xb: {  	[smem:$0x3FA8] =	sst s3  }
0xc: {  	[smem:$0x3FA9] =	sst s4  }
0xd: {  	[smem:$0x3FAA] =	sst s5  }
0xe: {  	[smem:$0x3FAB] =	sst s6  }
0xf: {  	[smem:$0x3FAC] =	sst s7  }
0x10: {  	[smem:$0x3FAD] =	sst s8  }
0x11: {  	[smem:$0x3FAE] =	sst s9;
	s0 =	simm.s32 @!p0 $0x0  }
0x12: {  	s1 =	sld [smem:$0x3F94];
	s0 =	simm.s32 @p0 $0x1  }
0x13: {  	[smem:$0x3FAF] =	sst s0;
	s0 =	simm.s32 @!p1 $0x0  }
0x14: {  	s2 =	sld [smem:$0x3F93];
	s0 =	simm.s32 @p1 $0x1  }
0x15: {  	[smem:$0x3FB0] =	sst s0;
	s0 =	simm.s32 @!p2 $0x0  }
0x16: {  	s3 =	sld [smem:$0x3FDB];
	s0 =	simm.s32 @p2 $0x1  }
0x17: {  	s4 =	simm.s32 $0x1BF5;
	[smem:$0x3FB2] =	sst s0  }
0x18: {  	s0 =	sld [smem:$0x3F95];
	_ =	swait.ge [sflag:s4], $0x0  }
0x19: {  	s7 =	sld [smem:$0x3F96]  }
0x1a: {  	s8 =	sadd.s32 $0xFFFFE003, lr  }
0x1b: {  	s9 =	sadd.s32 $0xFFFFFEF7, lr;
	s5 =	simm.s32 $0xFFFFFFFF;
	p2 =	slt.u32 s8, $0xFFFFF086  }
0x1c: {  	p1 =	slt.u32 s9, $0xF7A;
	s5 =	simm.s32 @!p2 $0x0  }
0x1d: {  	s5 =	simm.s32 @p1 $0x1;
	p0 =	seq.s32 s7, s2  }
0x1e: {  	s7 =	smul.u32 @!p0 $0xF7A, s2;
	p2 =	seq.s32 @!p0 s5, $0x0  }
0x1f: {  	s9 =	smul.u32 $0xF7A, s1;
	s8 =	simm.s32 @!p0 $0x1BF5;
	p2 =	por !p2, p0  }
0x20: {  	[sflag:s8] =	ssyncset.s32 @!p0 $0xFFFFF086;
	s6 =	sadd.s32 @!p0 s3, s7;
	s7 =	simm.s32 @!p0 $0x108  }
0x21: {  	s3 =	sadd.s32 s3, s9;
	s6 =	sadd.s32 @!p0 $0x88, s6;
	s7 =	simm.s32 @p2 $0x1082  }
0x22: {  	[simem:s7], [sflag:s8] =	dma.local @!p0 [hbm:s6], $0xF7A  }
0x23: {  	s9 =	sor.u32 $0xD0000000, s2;
	s6 =	simm.s32 $0x108;
	_ =	swait.ge @!p0 [sflag:s8], $0x0  }
0x24: {  	s3 =	sadd.s32 $0x88, s3;
	s6 =	simm.s32 @!p1 $0x1082;
	[sflag:s4] =	ssyncset.s32 $0xFFFFF086  }
0x25: {  	[simem:s6], [sflag:s4] =	dma.local [hbm:s3], $0xF7A  }
0x26: {  	[smem:$0x3F96] =	sst s1;
	(tag) =	ssettag s2;
	_ =	strace s9  }
0x27: {  	s1 =	sld [smem:$0x3FA6]  }
0x28: {  	s2 =	sld [smem:$0x3FA7]  }
0x29: {  	s4 =	sld [smem:$0x3FA9]  }
0x2a: {  	p0 =	seq.s32 s5, $0x0;
	s5 =	sld [smem:$0x3FAA]  }
0x2b: {  	s6 =	sld [smem:$0x3FAB]  }
0x2c: {  	s7 =	sld [smem:$0x3FAC]  }
0x2d: {  	s3 =	simm.s32 $0x108;
	s8 =	sld [smem:$0x3FAD]  }
0x2e: {  	s3 =	simm.s32 @!p0 $0x1082;
	s9 =	sld [smem:$0x3FAE]  }
0x2f: {  	lr =	sadd.s32 s0, s3;
	s0 =	sld [smem:$0x3FA5]  }
0x30: {  	s3 =	sld [smem:$0x3FA8]  }
0x31: {  	[smem:$0x3FB1] =	sst s10  }
0x32: {  	s10 =	sld [smem:$0x3FAF];
	_ =	sdelay $0x3  }
0x33: {  	p0 =	seq.s32 s10, $0x1;
	s10 =	sld [smem:$0x3FB1];
	_ =	sdelay $0x3  }
0x34: {  	[smem:$0x3FB1] =	sst s10  }
0x35: {  	s10 =	sld [smem:$0x3FB0];
	_ =	sdelay $0x3  }
0x36: {  	p1 =	seq.s32 s10, $0x1;
	s10 =	sld [smem:$0x3FB1];
	_ =	sdelay $0x3  }
0x37: {  	[smem:$0x3FB1] =	sst s10  }
0x38: {  	s10 =	sld [smem:$0x3FB2]  }
0x39: {  	_ = 	snop;
	(pc) =	sbr.ind lr, $3  }
0x3a: {  	_ = 	snop  }
0x3b: {  	_ = 	snop  }
0x3c: {  	p2 =	seq.s32 s10, $0x1;
	s10 =	sld [smem:$0x3FB1]  }
0x3d: {  	_ =	shalt  }
0x3e: {  	_ =	shalt  }
0x3f: {  	_ =	shalt  }
0x40: {  	_ =	shalt  }
0x41: {  	_ =	shalt  }
0x42: {  	_ =	shalt  }
0x43: {  	_ =	shalt  }
0x44: {  	_ =	shalt  }
0x45: {  	_ =	shalt  }
0x46: {  	_ =	shalt  }
0x47: {  	_ =	shalt  }
0x48: {  	_ =	shalt  }
0x49: {  	_ =	shalt  }
0x4a: {  	_ =	shalt  }
0x4b: {  	_ =	shalt  }
0x4c: {  	_ =	shalt  }
0x4d: {  	_ =	shalt  }
0x4e: {  	_ =	shalt  }
0x4f: {  	_ =	shalt  }
0x50: {  	_ =	shalt  }
0x51: {  	_ =	shalt  }
0x52: {  	_ =	shalt  }
0x53: {  	_ =	shalt  }
0x54: {  	_ =	shalt  }
0x55: {  	_ =	shalt  }
0x56: {  	_ =	shalt  }
0x57: {  	_ =	shalt  }
0x58: {  	_ =	shalt  }
0x59: {  	_ =	shalt  }
0x5a: {  	_ =	shalt  }
0x5b: {  	_ =	shalt  }
0x5c: {  	_ =	shalt  }
0x5d: {  	_ =	shalt  }
0x5e: {  	_ =	shalt  }
0x5f: {  	_ =	shalt  }
0x60: {  	_ =	shalt  }
0x61: {  	_ =	shalt  }
0x62: {  	_ =	shalt  }
0x63: {  	_ =	shalt  }
0x64: {  	_ =	shalt  }
0x65: {  	_ =	shalt  }
0x66: {  	_ =	shalt  }
0x67: {  	_ =	shalt  }
0x68: {  	_ =	shalt  }
0x69: {  	_ =	shalt  }
0x6a: {  	_ =	shalt  }
0x6b: {  	_ =	shalt  }
0x6c: {  	_ =	shalt  }
0x6d: {  	_ =	shalt  }
0x6e: {  	_ =	shalt  }
0x6f: {  	_ =	shalt  }
0x70: {  	_ =	shalt  }
0x71: {  	_ =	shalt  }
0x72: {  	_ =	shalt  }
0x73: {  	_ =	shalt  }
0x74: {  	_ =	shalt  }
0x75: {  	_ =	shalt  }
0x76: {  	_ =	shalt  }
0x77: {  	_ =	shalt  }
0x78: {  	_ =	shalt  }
0x79: {  	_ =	shalt  }
0x7a: {  	_ =	shalt  }
0x7b: {  	_ =	shalt  }
0x7c: {  	_ =	shalt  }
0x7d: {  	_ =	shalt  }
0x7e: {  	_ =	shalt  }
0x7f: {  	_ =	shalt  }
0x80: {  	_ =	shalt  }
0x81: {  	_ =	shalt  }
0x82: {  	_ =	shalt  }
0x83: {  	_ =	shalt  }
0x84: {  	_ =	shalt  }
0x85: {  	_ =	shalt  }
0x86: {  	_ =	shalt  }
0x87: {  	_ =	shalt  }
.Lfunc_end0:
.L_simem_size_0:
called_computation.2_lowered:
.L_overlay_start_0:
0x88: {  	s2 =	sld [smem:$0x3FD9]  }
0x89: {  	s3 =	sld [smem:$0x3FFE];
	_ =	sdelay $0x1  }
0x8a: {  	s1 =	srdreg.scid  }
0x8b: {  	s0 =	sand.u32 $0x1, s1  }
0x8c: {  	s14 =	sshll.u32 s0, $0xA;
	s2 =	sadd.s32 s3, s2  }
0x8d: {  	s2 =	sadd.s32 s2, s14  }
0x8e: {  	[smem:$0x3FBD] =	sst s2  }
0x8f: {  	_ = 	snop  }
0x90: {  	s2 =	sld [smem:$0x3FD0];
	_ =	sdelay $0x2  }
0x91: {  	s15 =	simm.s32 $0xA;
	s4 =	simm.s32 $0x10  }
0x92: {  	[smem:s4], [sflag:s15] =	dma.local [hbm:s2], $0x1  }
0x93: {  	_ =	swait.eq [sflag:s15], $0x1  }
0x94: {  	[sflag:s15] =	ssyncset.done $0x0  }
0x95: {  	s16 =	sld [smem:$0x11];
	[sflag:s15] =	ssyncadd.s32 $0xFFFFFFFF  }
0x96: {  	s17 =	sld [smem:$0x13];
	(tm) =	ssettm $0x1  }
0x97: {  	s18 =	sld [smem:$0x3FFB];
	_ =	sdelay $0x3  }
0x98: {  	_ =	strace s18  }
0x99: {  	s4 =	sld [smem:$0x3FFC];
	_ =	sdelay $0x3  }
0x9a: {  	_ =	strace s4  }
0x9b: {  	s4 =	sld [smem:$0x3FFD];
	_ =	sdelay $0x3  }
0x9c: {  	_ =	strace s4  }
0x9d: {  	_ =	strace $0x8FFFFFFF  }
0x9e: {  	s19 =	sld [smem:$0x3FDB];
	_ =	sdelay $0x1  }
0x9f: {  	s5 =	simm.s32 $_scs_section_size  }
0xa0: {  	s6 =	simm.s32 $_size__tile_overlayer_lowered;
	s7 =	simm.s32 $_tile_overlayer_lowered  }
0xa1: {  	s22 =	simm.s32 $0x1BFF;
	s21 =	sshll.u32 s7, $0x1;
	s4 =	sadd.s32 s5, s19  }
0xa2: {  	s8 =	simm.s32 $0x0;
	s20 =	sshll.u32 s6, $0x1;
	s6 =	sadd.s32 s21, s4  }
0xa3: {  	[timem:s8], [sflag:s22] =	dma.local [hbm:s6], s20  }
0xa4: {  	_ =	swait.ge [sflag:s22], s20  }
0xa5: {  	s5 =	ssub.s32 $0x0, s20;
	[sflag:s22] =	ssyncset.done $0x0  }
0xa6: {  	[sflag:s22] =	ssyncadd.s32 s5;
	_ =	sdelay $0x1  }
0xa7: {  	s23 =	simm.s32 $0x1B8B  }
0xa8: {  	_ =	swait.ge [sflag:s23], $0x1  }
0xa9: {  	[sflag:s23] =	ssyncset.done $0x0  }
0xaa: {  	s25 =	simm.s32 $0x1B8E;
	s24 =	sld [smem:$0x3FFE];
	[sflag:s23] =	ssyncadd.s32 $0xFFFFFFFF  }
0xab: {  	s26 =	simm.s32 $execute0_lowered;
	[smem:$0x3FD2] =	sst s25  }
0xac: {  	s6 =	sshll.u32 s26, $0x1;
	_ =	strace $0x8000004C;
	[dreg:$0x1] =	wrdreg $0xFFFFFFFF  }
0xad: {  	s28 =	simm.s32 $_size_execute0_lowered;
	s4 =	sadd.s32 s4, s6;
	[dreg:$0x0] =	wrdreg $0x0  }
0xae: {  	s6 =	sshll.u32 s28, $0x1;
	[dreg:$0x2] =	wrdreg s4  }
0xaf: {  	[dreg:$0x3] =	wrdreg s6  }
0xb0: {  	[dreg:$0x4] =	wrdreg $0xC0  }
0xb1: {  	_ =	task [dreg:s8], $0x5FFFF  }
0xb2: {  	[dreg:$0x1] =	wrdreg $0xFFFFFFFF  }
0xb3: {  	[dreg:$0x0] =	wrdreg $0x60  }
0xb4: {  	[dreg:$0x2] =	wrdreg s16  }
0xb5: {  	[dreg:$0x3] =	wrdreg s24  }
0xb6: {  	[dreg:$0x4] =	wrdreg s17  }
0xb7: {  	[dreg:$0x5] =	wrdreg $0x84000  }
0xb8: {  	[dreg:$0x6] =	wrdreg $0x9  }
0xb9: {  	_ =	task.clear_ibuf [dreg:s8], $0x7FFFF;
	_ =	strace $0x9000004C  }
0xba: {  	s29 =	simm.s32 $0x9;
	_ =	strace $0x8000004E  }
0xbb: {  	_ =	swait.ge [sflag:s29], $0x1  }
0xbc: {  	[sflag:s29] =	ssyncadd.s32 $0xFFFFFFFF  }
0xbd: {  	_ =	strace $0x9000004E  }
0xbe: {  	_ =	sfence  }
0xbf: {  	s30 =	sld [smem:$0x0];
	_ =	sdelay $0x2  }
0xc0: {  	s31 =	sshll.u32 s1, $0xD;
	s1 =	sshrl.u32 s1, $0x2  }
0xc1: {  	s3 =	sand.u32 $0x4000, s31;
	s1 =	sadd.s32 s1, s30  }
0xc2: {  	s0 =	sor.u32 s3, s0;
	s1 =	sshll.u32 s1, $0x11  }
0xc3: {  	s0 =	sor.u32 s1, s0  }
0xc4: {  	s0 =	sadd.s32 $0x8F2B, s0  }
0xc5: {  	[sflag:s0] =	ssyncadd.remote.s32 $0x1  }
0xc6: {  	_ =	sfence.sel $0xFFFF  }
0xc7: {  	[dreg:$0x0] =	wrdreg $0xFFFFFFFF;
	(pc) =	sbr.abs _section_cstart, $3  }
0xc8: {  	[dreg:$0x1] =	wrdreg $0xFFFFFFFF  }
0xc9: {  	_ =	task.clear_ibuf [dreg:s8], $0x2FFFF;
	_ =	strace $0x9FFFFFFF  }
0xca: {  	(tm) =	ssettm $0x7FFFFFFF  }
0xcb: {  	_ =	shalt  }
tec
execute0_lowered:
.L_overlay_start_1:
0x0: {  	(tag) =	ssettag $0x1  }
0x1: {  	s1 =	rddreg [dreg:$0x0]  }
0x2: {  	s0 =	rddreg [dreg:$0x1]  }
0x3: {  	s3 =	rddreg [dreg:$0x3]  }
0x4: {  	s4 =	simm.s32 $0x0;
	s2 =	srdreg.scid;
	s12 =	stileid.u32  }
0x5: {  	s28 =	simm.s32 $0x280;
	s29 =	simm.s32 $0x100;
	s30 =	simm.s32 $0x300  }
0x6: {  	s31 =	simm.s32 $0x1;
	[smem:$0x7FF] =	sst s4;
	s2 =	sand.u32 $0x1, s2  }
0x7: {  	s5 =	sadd.s32 $0x52800, s0;
	s7 =	sshll.u32 s12, $0x1;
	s9 =	smul.u32 $0x4E000, s12  }
0x8: {  	s10 =	sadd.s32 $0x5C800, s0;
	s15 =	smul.u32 $0x5000, s12;
	s16 =	sadd.s32 $0x124800, s3  }
0x9: {  	p0 =	seq.s32 s12, $0xF;
	_ =	strace $0x8000004D;
	s6 =	smul.u32 $0x27100, s2  }
0xa: {  	s8 =	ssub.s32 $0x2, s2;
	s7 =	sor.u32 s2, s7;
	s2 =	smul.u32 $0x2800, s2  }
0xb: {  	[dreg:$0x6] =	wrdreg s16;
	s11 =	sshrl.u32 s8, $0x1;
	s7 =	smul.u32 $0x2800, s7  }
0xc: {  	s14 =	sshrl.u32 s9, $0x2;
	s0 =	sadd.s32 s6, s0;
	s13 =	ssub.s32 s8, s11  }
0xd: {  	s8 =	sadd.s32 s14, s3;
	s2 =	sadd.s32 s2, s15;
	s11 =	simm.s32 $0xA  }
0xe: {  	s15 =	simm.s32 $0xB;
	s14 =	simm.s32 $0x4;
	[dreg:$0x5] =	wrdreg s8  }
0xf: {  	s7 =	sshrl.u32 s7, $0x3;
	s22 =	sor.u32 $0x300, s2;
	s8 =	sadd.s32 $0x2800, s0  }
0x10: {  	s0 =	smul.u32 $0x2700, s12;
	s6 =	smax.u32 s13, $0x1;
	s24 =	sor.u32 $0x280, s2  }
0x11: {  	s25 =	sor.u32 $0x200, s2;
	s2 =	sor.u32 $0x180, s2;
	[dreg:$0xe] =	wrdreg s6  }
0x12: {  	s12 =	simm.s32 $0x3;
	s18 =	sadd.s32 s5, s7;
	[dreg:$0xd] =	wrdreg s8  }
0x13: {  	s17 =	sor.u32 $0x10, s7;
	s19 =	sadd.s32 s10, s7;
	[dreg:$0x7] =	wrdreg s18  }
0x14: {  	s13 =	simm.s32 $0x7;
	[dreg:$0x8] =	wrdreg s19;
	s20 =	sadd.s32 s5, s17  }
0x15: {  	s7 =	sor.u32 $0x20, s7;
	s9 =	sadd.s32 s10, s17;
	[dreg:$0x9] =	wrdreg s20  }
0x16: {  	s6 =	sshrl.u32 s24, $0x3;
	s21 =	sadd.s32 s5, s7;
	[dreg:$0xa] =	wrdreg s9  }
0x17: {  	s2 =	sshrl.u32 s2, $0x3;
	s7 =	sadd.s32 s10, s7;
	[dreg:$0xb] =	wrdreg s21  }
0x18: {  	s24 =	simm.s32 $0xC;
	s26 =	sadd.s32 s6, s10;
	[dreg:$0xc] =	wrdreg s7  }
0x19: {  	s6 =	sadd.s32 s6, s5;
	s0 =	sadd.s32 @!p0 s0, s8;
	[dreg:$0x11] =	wrdreg s26  }
0x1a: {  	s8 =	simm.s32 $0x4400;
	s18 =	simm.s32 $0x0;
	[dreg:$0x12] =	wrdreg s6  }
0x1b: {  	s7 =	sshrl.u32 s22, $0x3;
	s22 =	sadd.s32 s2, s10;
	[dreg:$0x13] =	wrdreg s0  }
0x1c: {  	s26 =	simm.s32 $0x80;
	s0 =	simm.s32 $0x5;
	s23 =	sadd.s32 s7, s10  }
.Ltmp0:
0x1d: {  	s7 =	sadd.s32 s7, s5;
	[dreg:$0xf] =	wrdreg s23;
	(pc) =	sbr.rel .LBB2_1-.Ltmp0, $4  }
0x1e: {  	s6 =	simm.s32 $0x2;
	s9 =	simm.s32 $0x180;
	[dreg:$0x10] =	wrdreg s7  }
0x1f: {  	s7 =	sshrl.u32 s25, $0x3;
	s23 =	sadd.s32 s2, s5;
	s2 =	simm.s32 $0x9  }
0x20: {  	s25 =	simm.s32 $0x8;
	s20 =	sadd.s32 s7, s10;
	s21 =	sadd.s32 s7, s5  }
0x21: {  	s5 =	simm.s32 $0x400;
	s7 =	simm.s32 $0x6;
	s10 =	simm.s32 $0x380  }
.LBB2_4:
0x22: {  	_ =	swait.ge [sflag:s11], $0x4000  }
0x23: {  	[sflag:s11] =	ssyncset.done $0x0  }
0x24: {  	[sflag:s11] =	ssyncadd.s32 $0xFFFFC000  }
0x25: {  	[spmem:s3] =	stream.indirect.scatter.add.f32 [tilespmem:s8], [sflag:$0xC], $0x80, s10, s26, $0xb8;
	[tilespmem:$0x1C400] =	vst v63  }
0x26: {  	_ =	swait.ge [sflag:s15], $0x4000  }
0x27: {  	[sflag:s15] =	ssyncset.done $0x0  }
0x28: {  	[sflag:s15] =	ssyncadd.s32 $0xFFFFC000  }
0x29: {  	_ =	swait.ge [sflag:s24], $0x4000  }
0x2a: {  	[sflag:s24] =	ssyncset.done $0x0  }
0x2b: {  	[sflag:s24] =	ssyncadd.s32 $0xFFFFC000  }
0x2c: {  	[bflag:$0x0] =	sbarrier.arrive $0xFFFF  }
0x2d: {  	s16 =	rddreg [dreg:$0xd]  }
0x2e: {  	s17 =	simm.s32 @p0 $0x1FCD;
	s18 =	rddreg [dreg:$0x15];
	s16 =	sadd.s32 @p0 $0x24900, s16  }
0x2f: {  	[hbm:s16], [sflag:s17] =	dma.local @p0 [spmem:s18], $0x2800  }
0x30: {  	s16 =	simm.s32 @p0 $0xD  }
0x31: {  	_ =	swait.ge @p0 [sflag:s16], $0x2800  }
0x32: {  	s17 =	rddreg [dreg:$0x16]  }
0x33: {  	[sflag:s16] =	ssyncset.done @p0 $0x0;
	s18 =	rddreg [dreg:$0x17]  }
0x34: {  	[sflag:s16] =	ssyncadd.s32 @p0 $0xFFFFD800;
	s16 =	rddreg [dreg:$0x13]  }
0x35: {  	[hbm:s16], [sflag:s17] =	dma.local @!p0 [spmem:s18], $0x2700  }
0x36: {  	s16 =	simm.s32 @!p0 $0xD  }
0x37: {  	_ =	swait.ge @!p0 [sflag:s16], $0x2700  }
0x38: {  	s17 =	rddreg [dreg:$0x14]  }
0x39: {  	s19 =	rddreg [dreg:$0xe];
	s18 =	sadd.s32 $0x1, s17  }
0x3a: {  	p1 =	sne.s32 s18, s19  }
.Ltmp1:
0x3b: {  	_ = 	snop;
	(pc) =	sbr.rel @!p1 .LBB2_5-.Ltmp1, $3  }
0x3c: {  	_ =	sdelay $0x1  }
0x3d: {  	[sflag:s16] =	ssyncset.done @!p0 $0x0  }
0x3e: {  	[sflag:s16] =	ssyncadd.s32 @!p0 $0xFFFFD900  }
.LBB2_1:
0x3f: {  	[dreg:$0x14] =	wrdreg s18  }
0x40: {  	s16 =	rddreg [dreg:$0x6]  }
0x41: {  	s17 =	rddreg [dreg:$0x2];
	s18 =	sshrl.u32 @p0 s16, $0x3  }
0x42: {  	s16 =	simm.s32 @p0 $0x1FCD;
	[dreg:$0x15] =	wrdreg s18  }
0x43: {  	[spmem:s18], [sflag:s16] =	dma.local @p0 [hbm:s17], $0x2800  }
0x44: {  	s18 =	simm.s32 @p0 $0xD  }
0x45: {  	s16 =	stileid.u32;
	_ =	swait.ge @p0 [sflag:s18], $0x2800  }
0x46: {  	s16 =	sshll.u32 @!p0 s16, $0x6;
	[sflag:s18] =	ssyncset.done @p0 $0x0  }
0x47: {  	[sflag:s18] =	ssyncadd.s32 @p0 $0xFFFFD800;
	s18 =	sor.u32 @!p0 $0x1C0D, s16;
	s16 =	rddreg [dreg:$0x5]  }
0x48: {  	s16 =	sshrl.u32 @!p0 s16, $0x3;
	[dreg:$0x16] =	wrdreg s18  }
0x49: {  	[dreg:$0x17] =	wrdreg s16  }
0x4a: {  	[spmem:s16], [sflag:s18] =	dma.local @!p0 [hbm:s17], $0x2700  }
0x4b: {  	s16 =	simm.s32 @!p0 $0xD  }
0x4c: {  	_ =	swait.ge @!p0 [sflag:s16], $0x2700  }
0x4d: {  	[sflag:s16] =	ssyncset.done @!p0 $0x0  }
0x4e: {  	[sflag:s16] =	ssyncadd.s32 @!p0 $0xFFFFD900  }
0x4f: {  	[bflag:$0x0] =	sbarrier.arrive $0xFFFF  }
0x50: {  	s19 =	rddreg [dreg:$0x7]  }
0x51: {  	[tilespmem:s4], [sflag:$0x1] =	stream.linear.gather [hbm4b:s19+s4], $0x80, $0x38;
	[tilespmem:$0x1C400] =	vst v63  }
0x52: {  	s18 =	simm.s32 $0x200;
	s17 =	rddreg [dreg:$0x8]  }
0x53: {  	[tilespmem:s18], [sflag:$0x5] =	stream.linear.gather [hbm4b:s17+s4], $0x80, $0x38;
	[tilespmem:$0x1C400] =	vst v63  }
0x54: {  	s19 =	rddreg [dreg:$0x9]  }
0x55: {  	[tilespmem:s26], [sflag:$0x2] =	stream.linear.gather [hbm4b:s19+s4], $0x80, $0x38;
	[tilespmem:$0x1C400] =	vst v63  }
0x56: {  	s17 =	rddreg [dreg:$0xa]  }
0x57: {  	[tilespmem:s28], [sflag:$0x6] =	stream.linear.gather [hbm4b:s17+s4], $0x80, $0x38;
	[tilespmem:$0x1C400] =	vst v63  }
0x58: {  	s18 =	rddreg [dreg:$0xb]  }
0x59: {  	[tilespmem:s29], [sflag:$0x3] =	stream.linear.gather [hbm4b:s18+s4], $0x80, $0x38;
	[tilespmem:$0x1C400] =	vst v63  }
0x5a: {  	s19 =	rddreg [dreg:$0xc]  }
0x5b: {  	[tilespmem:s30], [sflag:$0x7] =	stream.linear.gather [hbm4b:s19+s4], $0x80, $0x38;
	[tilespmem:$0x1C400] =	vst v63  }
0x5c: {  	_ =	swait.ge [sflag:s31], $0x80  }
0x5d: {  	[sflag:s31] =	ssyncset.done $0x0  }
0x5e: {  	[sflag:s31] =	ssyncadd.s32 $0xFFFFFF80  }
0x5f: {  	_ =	swait.ge [sflag:s0], $0x80  }
0x60: {  	[sflag:s0] =	ssyncset.done $0x0  }
0x61: {  	s16 =	simm.s32 $0x0;
	[sflag:s0] =	ssyncadd.s32 $0xFFFFFF80  }
0x62: {  	[tilespmem:s5], [sflag:$0x9] =	stream.indirect.gather [hbm4b:s1+s26], $0x80, s4, s26, $0xb8;
	[tilespmem:$0x1C400] =	vst v63  }
.LBB2_2:
0x63: {  	_ =	swait.ge [sflag:s2], $0x4000  }
0x64: {  	[sflag:s2] =	ssyncset.done $0x0  }
0x65: {  	s17 =	simm.s32 $0x200;
	[sflag:s2] =	ssyncadd.s32 $0xFFFFC000  }
0x66: {  	[spmem:s3] =	stream.indirect.scatter.add.f32 [tilespmem:s5], [sflag:$0xB], $0x80, s17, s26, $0xb8;
	[tilespmem:$0x1C400] =	vst v63  }
0x67: {  	_ =	swait.ge [sflag:s6], $0x80  }
0x68: {  	[sflag:s6] =	ssyncset.done $0x0  }
0x69: {  	[sflag:s6] =	ssyncadd.s32 $0xFFFFFF80  }
0x6a: {  	_ =	swait.ge [sflag:s7], $0x80  }
0x6b: {  	p1 =	seq.s32 s16, $0x0;
	[sflag:s7] =	ssyncset.done $0x0  }
0x6c: {  	s17 =	simm.s32 @!p1 $0xC;
	[sflag:s7] =	ssyncadd.s32 $0xFFFFFF80  }
0x6d: {  	_ =	swait.ge @!p1 [sflag:s17], $0x4000  }
0x6e: {  	[sflag:s17] =	ssyncset.done @!p1 $0x0  }
0x6f: {  	[sflag:s17] =	ssyncadd.s32 @!p1 $0xFFFFC000  }
0x70: {  	[tilespmem:s8], [sflag:$0xA] =	stream.indirect.gather [hbm4b:s1+s26], $0x80, s26, s26, $0xb8;
	[tilespmem:$0x1C400] =	vst v63  }
0x71: {  	s18 =	sadd.s32 s16, s23  }
0x72: {  	[tilespmem:s9], [sflag:$0x4] =	stream.linear.gather [hbm4b:s18+s4], $0x80, $0x38;
	[tilespmem:$0x1C400] =	vst v63  }
0x73: {  	s19 =	sadd.s32 s16, s22  }
0x74: {  	[tilespmem:s10], [sflag:$0x8] =	stream.linear.gather [hbm4b:s19+s4], $0x80, $0x38;
	[tilespmem:$0x1C400] =	vst v63  }
0x75: {  	_ =	swait.ge [sflag:s11], $0x4000  }
0x76: {  	[sflag:s11] =	ssyncset.done $0x0  }
0x77: {  	[sflag:s11] =	ssyncadd.s32 $0xFFFFC000  }
0x78: {  	[spmem:s3] =	stream.indirect.scatter.add.f32 [tilespmem:s8], [sflag:$0xC], $0x80, s28, s26, $0xb8;
	[tilespmem:$0x1C400] =	vst v63  }
0x79: {  	_ =	swait.ge [sflag:s12], $0x80  }
0x7a: {  	[sflag:s12] =	ssyncset.done $0x0  }
0x7b: {  	[sflag:s12] =	ssyncadd.s32 $0xFFFFFF80  }
0x7c: {  	_ =	swait.ge [sflag:s13], $0x80  }
0x7d: {  	[sflag:s13] =	ssyncset.done $0x0  }
0x7e: {  	[sflag:s13] =	ssyncadd.s32 $0xFFFFFF80  }
0x7f: {  	_ =	swait.ge [sflag:s15], $0x4000  }
0x80: {  	[sflag:s15] =	ssyncset.done $0x0  }
0x81: {  	p1 =	seq.s32 s16, $0x4C0;
	[sflag:s15] =	ssyncadd.s32 $0xFFFFC000  }
0x82: {  	[tilespmem:s5], [sflag:$0x9] =	stream.indirect.gather [hbm4b:s1+s26], $0x80, s29, s26, $0xb8;
	[tilespmem:$0x1C400] =	vst v63  }
0x83: {  	s17 =	sadd.s32 @!p1 s16, s21;
	s18 =	simm.s32 @!p1 $0x0  }
0x84: {  	[tilespmem:s18], [sflag:$0x1] =	stream.linear.gather @!p1 [hbm4b:s17+s18], $0x80, $0x38;
	[tilespmem:$0x1C400] =	vst v63  }
0x85: {  	s19 =	simm.s32 @!p1 $0x200;
	s17 =	sadd.s32 @!p1 s16, s20  }
0x86: {  	[tilespmem:s19], [sflag:$0x5] =	stream.linear.gather @!p1 [hbm4b:s17+s18], $0x80, $0x38;
	[tilespmem:$0x1C400] =	vst v63  }
0x87: {  	_ =	swait.ge [sflag:s2], $0x4000  }
0x88: {  	[sflag:s2] =	ssyncset.done $0x0  }
0x89: {  	[sflag:s2] =	ssyncadd.s32 $0xFFFFC000  }
0x8a: {  	[spmem:s3] =	stream.indirect.scatter.add.f32 [tilespmem:s5], [sflag:$0xB], $0x80, s30, s26, $0xb8;
	[tilespmem:$0x1C400] =	vst v63  }
0x8b: {  	_ =	swait.ge [sflag:s14], $0x80  }
0x8c: {  	[sflag:s14] =	ssyncset.done $0x0  }
0x8d: {  	[sflag:s14] =	ssyncadd.s32 $0xFFFFFF80  }
0x8e: {  	_ =	swait.ge [sflag:s25], $0x80  }
0x8f: {  	[sflag:s25] =	ssyncset.done $0x0  }
.Ltmp2:
0x90: {  	[sflag:s25] =	ssyncadd.s32 $0xFFFFFF80;
	(pc) =	sbr.rel @p1 .LBB2_4-.Ltmp2, $4  }
0x91: {  	_ =	swait.ge [sflag:s24], $0x4000  }
0x92: {  	[sflag:s24] =	ssyncset.done $0x0  }
0x93: {  	[sflag:s24] =	ssyncadd.s32 $0xFFFFC000  }
0x94: {  	[tilespmem:s8], [sflag:$0xA] =	stream.indirect.gather [hbm4b:s1+s26], $0x80, s9, s26, $0xb8;
	[tilespmem:$0x1C400] =	vst v63  }
0x95: {  	s17 =	rddreg [dreg:$0x12]  }
0x96: {  	s19 =	rddreg [dreg:$0x11];
	s17 =	sadd.s32 s16, s17  }
0x97: {  	[tilespmem:s26], [sflag:$0x2] =	stream.linear.gather [hbm4b:s17+s4], $0x80, $0x38;
	[tilespmem:$0x1C400] =	vst v63  }
0x98: {  	s17 =	sadd.s32 s16, s19  }
0x99: {  	[tilespmem:s28], [sflag:$0x6] =	stream.linear.gather [hbm4b:s17+s4], $0x80, $0x38;
	[tilespmem:$0x1C400] =	vst v63  }
0x9a: {  	_ =	swait.ge [sflag:s11], $0x4000  }
0x9b: {  	[sflag:s11] =	ssyncset.done $0x0  }
0x9c: {  	[sflag:s11] =	ssyncadd.s32 $0xFFFFC000  }
0x9d: {  	[spmem:s3] =	stream.indirect.scatter.add.f32 [tilespmem:s8], [sflag:$0xC], $0x80, s10, s26, $0xb8;
	[tilespmem:$0x1C400] =	vst v63  }
0x9e: {  	_ =	swait.ge [sflag:s31], $0x80  }
0x9f: {  	[sflag:s31] =	ssyncset.done $0x0  }
0xa0: {  	[sflag:s31] =	ssyncadd.s32 $0xFFFFFF80  }
0xa1: {  	_ =	swait.ge [sflag:s0], $0x80  }
0xa2: {  	[sflag:s0] =	ssyncset.done $0x0  }
0xa3: {  	[sflag:s0] =	ssyncadd.s32 $0xFFFFFF80  }
0xa4: {  	_ =	swait.ge [sflag:s15], $0x4000  }
0xa5: {  	[sflag:s15] =	ssyncset.done $0x0  }
0xa6: {  	[sflag:s15] =	ssyncadd.s32 $0xFFFFC000  }
0xa7: {  	[tilespmem:s5], [sflag:$0x9] =	stream.indirect.gather [hbm4b:s1+s26], $0x80, s4, s26, $0xb8;
	[tilespmem:$0x1C400] =	vst v63  }
.Ltmp3:
0xa8: {  	s18 =	rddreg [dreg:$0x10];
	(pc) =	sbr.rel .LBB2_2-.Ltmp3, $4  }
0xa9: {  	s19 =	rddreg [dreg:$0xf];
	s17 =	sadd.s32 s16, s18  }
0xaa: {  	[tilespmem:s29], [sflag:$0x3] =	stream.linear.gather [hbm4b:s17+s4], $0x80, $0x38;
	[tilespmem:$0x1C400] =	vst v63  }
0xab: {  	s17 =	sadd.s32 s16, s19;
	s16 =	sadd.s32 $0x40, s16  }
0xac: {  	[tilespmem:s30], [sflag:$0x7] =	stream.linear.gather [hbm4b:s17+s4], $0x80, $0x38;
	[tilespmem:$0x1C400] =	vst v63  }
.LBB2_5:
0xad: {  	_ =	sfence.sel $0x180000  }
0xae: {  	[bflag:$0x0] =	sbarrier.arrive $0xFFFF  }
0xaf: {  	_ =	strace $0x9000004D  }
0xb0: {  	s0 =	stileid.u32;
	[bflag:$0x2] =	sbarrier.arrive $0xFFFF  }
0xb1: {  	p0 =	sne.s32 s0, $0x0;
	s0 =	rddreg [dreg:$0x4]  }
0xb2: {  	s0 =	sadd.s32 @!p0 $0x100000, s0  }
0xb3: {  	[sflag:s0] =	ssyncadd.tile.s32 @!p0 $0x1;
	_ =	shalt  }
.Lfunc_end2:
_tile_overlayer_lowered:
.L_overlay_start_2:
0xb4: {  	(tag) =	ssettag $0x2  }
0xb5: {  	s0 =	rddreg [dreg:$0x0];
	s2 =	stileid.u32  }
0xb6: {  	s1 =	rddreg [dreg:$0x1];
	p0 =	sne.s32 s2, $0x0  }
0xb7: {  	s3 =	rddreg [dreg:$0x2];
	[bflag:$0x3] =	sbarrier.arrive $0xFFFF;
	s2 =	simm.s32 @!p0 $0x1C0D  }
0xb8: {  	[timem:s3], [sflag:s2] =	dma.local @!p0 [hbm:s0], s1  }
0xb9: {  	s0 =	simm.s32 @!p0 $0xD  }
0xba: {  	_ =	swait.ge @!p0 [sflag:s0], s1  }
0xbb: {  	s1 =	ssub.s32 @!p0 $0x0, s1;
	[sflag:s0] =	ssyncset.done @!p0 $0x0  }
0xbc: {  	[sflag:s0] =	ssyncadd.s32 @!p0 s1  }
0xbd: {  	[bflag:$0x3] =	sbarrier.arrive $0xFFFF  }
0xbe: {  	_ =	shalt  }

// kernel: kernel.8.cloned.1.call-start
scs
__scs_entry_jumppad:
0x0: {  	(pc) =	sbr.rel $0x88, $3  }
0x1: {  	(tag) =	ssettag $0x0;
	lr =	simm.s32 $0x1  }
0x2: {  	[smem:$0x3F96] =	sst lr;
	_ =	strace $0xD0000000  }
0x3: {  	_ = 	snop  }
0x4: {  	_ = 	snop  }
0x5: {  	_ = 	snop  }
0x6: {  	_ = 	snop  }
0x7: {  	_ = 	snop  }
__scs_overlays_trampoline_lowered:
0x8: {  	[smem:$0x3FA5] =	sst s0  }
0x9: {  	[smem:$0x3FA6] =	sst s1  }
0xa: {  	[smem:$0x3FA7] =	sst s2  }
0xb: {  	[smem:$0x3FA8] =	sst s3  }
0xc: {  	[smem:$0x3FA9] =	sst s4  }
0xd: {  	[smem:$0x3FAA] =	sst s5  }
0xe: {  	[smem:$0x3FAB] =	sst s6  }
0xf: {  	[smem:$0x3FAC] =	sst s7  }
0x10: {  	[smem:$0x3FAD] =	sst s8  }
0x11: {  	[smem:$0x3FAE] =	sst s9;
	s0 =	simm.s32 @!p0 $0x0  }
0x12: {  	s1 =	sld [smem:$0x3F94];
	s0 =	simm.s32 @p0 $0x1  }
0x13: {  	[smem:$0x3FAF] =	sst s0;
	s0 =	simm.s32 @!p1 $0x0  }
0x14: {  	s2 =	sld [smem:$0x3F93];
	s0 =	simm.s32 @p1 $0x1  }
0x15: {  	[smem:$0x3FB0] =	sst s0;
	s0 =	simm.s32 @!p2 $0x0  }
0x16: {  	s3 =	sld [smem:$0x3FDB];
	s0 =	simm.s32 @p2 $0x1  }
0x17: {  	s4 =	simm.s32 $0x1BF5;
	[smem:$0x3FB2] =	sst s0  }
0x18: {  	s0 =	sld [smem:$0x3F95];
	_ =	swait.ge [sflag:s4], $0x0  }
0x19: {  	s7 =	sld [smem:$0x3F96]  }
0x1a: {  	s8 =	sadd.s32 $0xFFFFE003, lr  }
0x1b: {  	s9 =	sadd.s32 $0xFFFFFEF7, lr;
	s5 =	simm.s32 $0xFFFFFFFF;
	p2 =	slt.u32 s8, $0xFFFFF086  }
0x1c: {  	p1 =	slt.u32 s9, $0xF7A;
	s5 =	simm.s32 @!p2 $0x0  }
0x1d: {  	s5 =	simm.s32 @p1 $0x1;
	p0 =	seq.s32 s7, s2  }
0x1e: {  	s7 =	smul.u32 @!p0 $0xF7A, s2;
	p2 =	seq.s32 @!p0 s5, $0x0  }
0x1f: {  	s9 =	smul.u32 $0xF7A, s1;
	s8 =	simm.s32 @!p0 $0x1BF5;
	p2 =	por !p2, p0  }
0x20: {  	[sflag:s8] =	ssyncset.s32 @!p0 $0xFFFFF086;
	s6 =	sadd.s32 @!p0 s3, s7;
	s7 =	simm.s32 @!p0 $0x108  }
0x21: {  	s3 =	sadd.s32 s3, s9;
	s6 =	sadd.s32 @!p0 $0x88, s6;
	s7 =	simm.s32 @p2 $0x1082  }
0x22: {  	[simem:s7], [sflag:s8] =	dma.local @!p0 [hbm:s6], $0xF7A  }
0x23: {  	s9 =	sor.u32 $0xD0000000, s2;
	s6 =	simm.s32 $0x108;
	_ =	swait.ge @!p0 [sflag:s8], $0x0  }
0x24: {  	s3 =	sadd.s32 $0x88, s3;
	s6 =	simm.s32 @!p1 $0x1082;
	[sflag:s4] =	ssyncset.s32 $0xFFFFF086  }
0x25: {  	[simem:s6], [sflag:s4] =	dma.local [hbm:s3], $0xF7A  }
0x26: {  	[smem:$0x3F96] =	sst s1;
	(tag) =	ssettag s2;
	_ =	strace s9  }
0x27: {  	s1 =	sld [smem:$0x3FA6]  }
0x28: {  	s2 =	sld [smem:$0x3FA7]  }
0x29: {  	s4 =	sld [smem:$0x3FA9]  }
0x2a: {  	p0 =	seq.s32 s5, $0x0;
	s5 =	sld [smem:$0x3FAA]  }
0x2b: {  	s6 =	sld [smem:$0x3FAB]  }
0x2c: {  	s7 =	sld [smem:$0x3FAC]  }
0x2d: {  	s3 =	simm.s32 $0x108;
	s8 =	sld [smem:$0x3FAD]  }
0x2e: {  	s3 =	simm.s32 @!p0 $0x1082;
	s9 =	sld [smem:$0x3FAE]  }
0x2f: {  	lr =	sadd.s32 s0, s3;
	s0 =	sld [smem:$0x3FA5]  }
0x30: {  	s3 =	sld [smem:$0x3FA8]  }
0x31: {  	[smem:$0x3FB1] =	sst s10  }
0x32: {  	s10 =	sld [smem:$0x3FAF];
	_ =	sdelay $0x3  }
0x33: {  	p0 =	seq.s32 s10, $0x1;
	s10 =	sld [smem:$0x3FB1];
	_ =	sdelay $0x3  }
0x34: {  	[smem:$0x3FB1] =	sst s10  }
0x35: {  	s10 =	sld [smem:$0x3FB0];
	_ =	sdelay $0x3  }
0x36: {  	p1 =	seq.s32 s10, $0x1;
	s10 =	sld [smem:$0x3FB1];
	_ =	sdelay $0x3  }
0x37: {  	[smem:$0x3FB1] =	sst s10  }
0x38: {  	s10 =	sld [smem:$0x3FB2]  }
0x39: {  	_ = 	snop;
	(pc) =	sbr.ind lr, $3  }
0x3a: {  	_ = 	snop  }
0x3b: {  	_ = 	snop  }
0x3c: {  	p2 =	seq.s32 s10, $0x1;
	s10 =	sld [smem:$0x3FB1]  }
0x3d: {  	_ =	shalt  }
0x3e: {  	_ =	shalt  }
0x3f: {  	_ =	shalt  }
0x40: {  	_ =	shalt  }
0x41: {  	_ =	shalt  }
0x42: {  	_ =	shalt  }
0x43: {  	_ =	shalt  }
0x44: {  	_ =	shalt  }
0x45: {  	_ =	shalt  }
0x46: {  	_ =	shalt  }
0x47: {  	_ =	shalt  }
0x48: {  	_ =	shalt  }
0x49: {  	_ =	shalt  }
0x4a: {  	_ =	shalt  }
0x4b: {  	_ =	shalt  }
0x4c: {  	_ =	shalt  }
0x4d: {  	_ =	shalt  }
0x4e: {  	_ =	shalt  }
0x4f: {  	_ =	shalt  }
0x50: {  	_ =	shalt  }
0x51: {  	_ =	shalt  }
0x52: {  	_ =	shalt  }
0x53: {  	_ =	shalt  }
0x54: {  	_ =	shalt  }
0x55: {  	_ =	shalt  }
0x56: {  	_ =	shalt  }
0x57: {  	_ =	shalt  }
0x58: {  	_ =	shalt  }
0x59: {  	_ =	shalt  }
0x5a: {  	_ =	shalt  }
0x5b: {  	_ =	shalt  }
0x5c: {  	_ =	shalt  }
0x5d: {  	_ =	shalt  }
0x5e: {  	_ =	shalt  }
0x5f: {  	_ =	shalt  }
0x60: {  	_ =	shalt  }
0x61: {  	_ =	shalt  }
0x62: {  	_ =	shalt  }
0x63: {  	_ =	shalt  }
0x64: {  	_ =	shalt  }
0x65: {  	_ =	shalt  }
0x66: {  	_ =	shalt  }
0x67: {  	_ =	shalt  }
0x68: {  	_ =	shalt  }
0x69: {  	_ =	shalt  }
0x6a: {  	_ =	shalt  }
0x6b: {  	_ =	shalt  }
0x6c: {  	_ =	shalt  }
0x6d: {  	_ =	shalt  }
0x6e: {  	_ =	shalt  }
0x6f: {  	_ =	shalt  }
0x70: {  	_ =	shalt  }
0x71: {  	_ =	shalt  }
0x72: {  	_ =	shalt  }
0x73: {  	_ =	shalt  }
0x74: {  	_ =	shalt  }
0x75: {  	_ =	shalt  }
0x76: {  	_ =	shalt  }
0x77: {  	_ =	shalt  }
0x78: {  	_ =	shalt  }
0x79: {  	_ =	shalt  }
0x7a: {  	_ =	shalt  }
0x7b: {  	_ =	shalt  }
0x7c: {  	_ =	shalt  }
0x7d: {  	_ =	shalt  }
0x7e: {  	_ =	shalt  }
0x7f: {  	_ =	shalt  }
0x80: {  	_ =	shalt  }
0x81: {  	_ =	shalt  }
0x82: {  	_ =	shalt  }
0x83: {  	_ =	shalt  }
0x84: {  	_ =	shalt  }
0x85: {  	_ =	shalt  }
0x86: {  	_ =	shalt  }
0x87: {  	_ =	shalt  }
.Lfunc_end0:
.L_simem_size_0:
called_computation_lowered:
.L_overlay_start_0:
0x88: {  	s2 =	sld [smem:$0x3FD9]  }
0x89: {  	s3 =	sld [smem:$0x3FFE];
	_ =	sdelay $0x1  }
0x8a: {  	s1 =	srdreg.scid  }
0x8b: {  	s0 =	sand.u32 $0x1, s1  }
0x8c: {  	s14 =	sshll.u32 s0, $0xA;
	s2 =	sadd.s32 s3, s2  }
0x8d: {  	s2 =	sadd.s32 s2, s14  }
0x8e: {  	[smem:$0x3FBD] =	sst s2  }
0x8f: {  	_ = 	snop  }
0x90: {  	s2 =	sld [smem:$0x3FD0];
	_ =	sdelay $0x2  }
0x91: {  	s15 =	simm.s32 $0xA;
	s4 =	simm.s32 $0x10  }
0x92: {  	[smem:s4], [sflag:s15] =	dma.local [hbm:s2], $0x1  }
0x93: {  	_ =	swait.eq [sflag:s15], $0x1  }
0x94: {  	[sflag:s15] =	ssyncset.done $0x0  }
0x95: {  	s16 =	sld [smem:$0x11];
	[sflag:s15] =	ssyncadd.s32 $0xFFFFFFFF  }
0x96: {  	s17 =	sld [smem:$0x13];
	(tm) =	ssettm $0x1  }
0x97: {  	s18 =	sld [smem:$0x3FFB];
	_ =	sdelay $0x3  }
0x98: {  	_ =	strace s18  }
0x99: {  	s4 =	sld [smem:$0x3FFC];
	_ =	sdelay $0x3  }
0x9a: {  	_ =	strace s4  }
0x9b: {  	s4 =	sld [smem:$0x3FFD];
	_ =	sdelay $0x3  }
0x9c: {  	_ =	strace s4  }
0x9d: {  	_ =	strace $0x8FFFFFFF  }
0x9e: {  	s19 =	sld [smem:$0x3FDB];
	_ =	sdelay $0x1  }
0x9f: {  	s5 =	simm.s32 $_scs_section_size  }
0xa0: {  	s6 =	simm.s32 $_size__tile_overlayer_lowered;
	s7 =	simm.s32 $_tile_overlayer_lowered  }
0xa1: {  	s22 =	simm.s32 $0x1BFF;
	s21 =	sshll.u32 s7, $0x1;
	s4 =	sadd.s32 s5, s19  }
0xa2: {  	s8 =	simm.s32 $0x0;
	s20 =	sshll.u32 s6, $0x1;
	s6 =	sadd.s32 s21, s4  }
0xa3: {  	[timem:s8], [sflag:s22] =	dma.local [hbm:s6], s20  }
0xa4: {  	_ =	swait.ge [sflag:s22], s20  }
0xa5: {  	s5 =	ssub.s32 $0x0, s20;
	[sflag:s22] =	ssyncset.done $0x0  }
0xa6: {  	[sflag:s22] =	ssyncadd.s32 s5;
	_ =	sdelay $0x1  }
0xa7: {  	s23 =	simm.s32 $0x1B8B  }
0xa8: {  	_ =	swait.ge [sflag:s23], $0x1  }
0xa9: {  	[sflag:s23] =	ssyncset.done $0x0  }
0xaa: {  	s25 =	simm.s32 $0x1B8E;
	s24 =	sld [smem:$0x3FFE];
	[sflag:s23] =	ssyncadd.s32 $0xFFFFFFFF  }
0xab: {  	s26 =	simm.s32 $execute0_lowered;
	[smem:$0x3FD2] =	sst s25  }
0xac: {  	s6 =	sshll.u32 s26, $0x1;
	_ =	strace $0x80000046;
	[dreg:$0x1] =	wrdreg $0xFFFFFFFF  }
0xad: {  	s28 =	simm.s32 $_size_execute0_lowered;
	s4 =	sadd.s32 s4, s6;
	[dreg:$0x0] =	wrdreg $0x0  }
0xae: {  	s6 =	sshll.u32 s28, $0x1;
	[dreg:$0x2] =	wrdreg s4  }
0xaf: {  	[dreg:$0x3] =	wrdreg s6  }
0xb0: {  	[dreg:$0x4] =	wrdreg $0xC0  }
0xb1: {  	_ =	task [dreg:s8], $0x5FFFF  }
0xb2: {  	[dreg:$0x1] =	wrdreg $0xFFFFFFFF  }
0xb3: {  	[dreg:$0x0] =	wrdreg $0x60  }
0xb4: {  	[dreg:$0x2] =	wrdreg s16  }
0xb5: {  	[dreg:$0x3] =	wrdreg s17  }
0xb6: {  	[dreg:$0x4] =	wrdreg s24  }
0xb7: {  	[dreg:$0x5] =	wrdreg $0x9  }
0xb8: {  	_ =	task.clear_ibuf [dreg:s8], $0x6FFFF;
	_ =	strace $0x90000046  }
0xb9: {  	s29 =	simm.s32 $0x9;
	_ =	strace $0x80000048  }
0xba: {  	_ =	swait.ge [sflag:s29], $0x1  }
0xbb: {  	[sflag:s29] =	ssyncadd.s32 $0xFFFFFFFF  }
0xbc: {  	_ =	strace $0x90000048  }
0xbd: {  	_ =	sfence  }
0xbe: {  	s30 =	sld [smem:$0x0];
	_ =	sdelay $0x2  }
0xbf: {  	s31 =	sshll.u32 s1, $0xD;
	s1 =	sshrl.u32 s1, $0x2  }
0xc0: {  	s3 =	sand.u32 $0x4000, s31;
	s1 =	sadd.s32 s1, s30  }
0xc1: {  	s0 =	sor.u32 s3, s0;
	s1 =	sshll.u32 s1, $0x11  }
0xc2: {  	s0 =	sor.u32 s1, s0  }
0xc3: {  	s0 =	sadd.s32 $0x8F2B, s0  }
0xc4: {  	[sflag:s0] =	ssyncadd.remote.s32 $0x1  }
0xc5: {  	_ =	sfence.sel $0xFFFF  }
0xc6: {  	[dreg:$0x0] =	wrdreg $0xFFFFFFFF;
	(pc) =	sbr.abs _section_cstart, $3  }
0xc7: {  	[dreg:$0x1] =	wrdreg $0xFFFFFFFF  }
0xc8: {  	_ =	task.clear_ibuf [dreg:s8], $0x2FFFF;
	_ =	strace $0x9FFFFFFF  }
0xc9: {  	(tm) =	ssettm $0x7FFFFFFF  }
tec
execute0_lowered:
.L_overlay_start_1:
0x0: {  	(tag) =	ssettag $0x1  }
0x1: {  	s1 =	rddreg [dreg:$0x0]  }
0x2: {  	s2 =	rddreg [dreg:$0x1]  }
0x3: {  	s6 =	rddreg [dreg:$0x2]  }
0x4: {  	s0 =	rddreg [dreg:$0x3];
	v0 =	vimm.s32 $0x65432100;
	v1 =	vimm.s32 $0xEDCBA987  }
0x5: {  	s4 =	simm.s32 $0x0;
	s5 =	srdreg.scid;
	s3 =	stileid.u32;
	v2 =	vimm.s32 $0xFFEDCBA9;
	v3 =	vimm.s32 $0x87654321;
	v1 =	vunpack.c.l.s4.s8 v1  }
0x6: {  	[smem:$0x7FF] =	sst s4;
	s5 =	sand.u32 $0x1, s5;
	v0 =	vunpack.c.l.s4.s8 v0;
	v2 =	vunpack.c.l.s4.s8 v2;
	v3 =	vunpack.c.l.s4.s8 v3;
	s31 =	smul.u32 $0x2800, s3  }
0x7: {  	s7 =	sshll.u32 s3, $0x1;
	s8 =	smul.u32 $0x28000, s5;
	s9 =	ssub.s32 $0x2, s5;
	v1 =	vunpack.c.0.s8.s32 v1  }
0x8: {  	s5 =	sor.u32 s5, s7;
	_ =	strace $0x80000047;
	s30 =	sshrl.u32 s9, $0x1;
	v0 =	vunpack.c.0.s8.s32 v0;
	v2 =	vunpack.c.0.s8.s32 v2;
	v3 =	vunpack.c.0.s8.s32 v3  }
0x9: {  	s5 =	smul.u32 $0x2710, s5;
	s6 =	sadd.s32 s8, s6;
	s7 =	ssub.s32 s9, s30;
	v1 =	vand.u32 $0xF, v1  }
0xa: {  	s8 =	simm.s32 $0x1;
	s10 =	sadd.s32 $0x2800, s6;
	s6 =	smax.u32 s7, $0x1;
	v0 =	vcombine.low v0, v1;
	v1 =	vcombine.low v3, v2;
	v3 =	vlaneseq.u32  }
0xb: {  	vm0 =	vcmask $0x3F3C;
	s7 =	simm.s32 $0x800;
	s9 =	sadd.s32 s31, s10;
	s10 =	simm.s32 $0x0;
	v2 =	vor.u32 $0x80000000, v3;
	v3 =	vadd.s32 $0x1, v3  }
.LBB2_1:
0xc: {  	[tilespmem:s7], [sflag:$0x1] =	stream.linear.gather [hbm4b:s2+s4], $0x14000, $0x38;
	[tilespmem:$0x14800] =	vst v63  }
0xd: {  	_ =	swait.ge [sflag:s8], $0x14000  }
0xe: {  	[sflag:s8] =	ssyncset.done $0x0  }
0xf: {  	s11 =	simm.s32 $0x0;
	[sflag:s8] =	ssyncadd.s32 $0xFFFEC000  }
.LBB2_2:
0x10: {  	s12 =	smul.u32 $0x7D0, s11;
	_ =	sdelay $0x1  }
0x11: {  	s12 =	sadd.s32 s5, s12  }
0x12: {  	s12 =	sshrl.u32 s12, $0x3  }
0x13: {  	s13 =	simm.s32 $0x0;
	s12 =	sadd.s32 s1, s12  }
0x14: {  	[tilespmem:s13], [sflag:$0x1] =	stream.linear.gather [hbm4b:s12+s13], $0x7D0, $0x38;
	[tilespmem:$0x14800] =	vst v63  }
0x15: {  	_ =	swait.ge [sflag:s8], $0x7D0  }
0x16: {  	[sflag:s8] =	ssyncset.done $0x0  }
0x17: {  	s13 =	simm.s32 $0x0;
	s12 =	simm.s32 $0x40;
	[sflag:s8] =	ssyncadd.s32 $0xFFFFF830  }
.LBB2_3:
0x18: {  	p0 =	sne.s32 s12, $0x1F00;
	v4 =	vld [tilespmem:s13+$0x0];
	_ =	sdelay $0x4  }
0x19: {  	v5 =	vxor.u32 $0x80000000, v4  }
0x1a: {  	(xrf1) =	vsort.ascd.msk.u32 $0xffff, v5, v4;
	_ =	sdelay $0xd  }
0x1b: {  	v4, _, _ =	vpop (xrf1)  }
0x1c: {  	v5 =	vxor.u32 $0x80000000, v4  }
0x1d: {  	v6 =	vperm.xlane v5, v0;
	_ =	sdelay $0x1  }
0x1e: {  	vm1 =	veq.s32 v5, v6  }
0x1f: {  	v6 =	vsel vm1, $0x80000000, v2  }
0x20: {  	(xrf0) =	vmax.scan.msk.u32 $0xffff, v6;
	_ =	sdelay $0x1  }
0x21: {  	v6 =	vperm.xlane v5, v1;
	_ =	sdelay $0x1  }
0x22: {  	v7 =	vshll.u32 v4, $0x3;
	vm1 =	vne.s32 v5, v6  }
0x23: {  	v4 =	vand.u32 $0xF, v4;
	v6 =	vand.u32 $0xFFFFFF80, v7;
	vm1 =	vmor vm1, vm0  }
0x24: {  	v4 =	vor.u32 v4, v6;
	v5, _, _ =	vpop (xrf0)  }
.Ltmp0:
0x25: {  	v5 =	vxor.u32 $0x80000000, v5;
	(pc) =	sbr.rel @p0 .LBB2_3-.Ltmp0, $3  }
0x26: {  	v5 =	vsub.s32 v3, v5  }
0x27: {  	v5 =	vcvt.s32.f32 v5;
	_ =	sdelay $0x1  }
0x28: {  	s13 =	sshra.s32 s12, $0x2;
	s12 =	sadd.s32 $0x40, s12;
	[tilespmem:v4+s7+$0x0] =	vst.idx.add.f32.msk vm1, v5  }
0x29: {  	v4 =	vld [tilespmem:s13+$0x0];
	_ =	sdelay $0x4  }
0x2a: {  	v5 =	vxor.u32 $0x80000000, v4  }
0x2b: {  	(xrf1) =	vsort.ascd.msk.u32 $0xffff, v5, v4;
	_ =	sdelay $0xd  }
0x2c: {  	v4, _, _ =	vpop (xrf1)  }
0x2d: {  	v5 =	vxor.u32 $0x80000000, v4  }
0x2e: {  	v6 =	vperm.xlane v5, v0;
	_ =	sdelay $0x1  }
0x2f: {  	vm1 =	veq.s32 v5, v6  }
0x30: {  	v6 =	vsel vm1, $0x80000000, v2  }
0x31: {  	v63 =	vperm.xlane v5, v1;
	(xrf0) =	vmax.scan.msk.u32 $0xffff, v6;
	_ =	sdelay $0x1  }
0x32: {  	vm1 =	vne.s32 v5, v63;
	v5 =	vshll.u32 v4, $0x3  }
0x33: {  	v5 =	vand.u32 $0xFFFFFF80, v5;
	_ =	sdelay $0x1  }
0x34: {  	s11 =	sadd.s32 $0x1, s11;
	v4 =	vand.u32 $0xF, v4;
	vm1 =	vmor vm1, vm0  }
0x35: {  	p0 =	sne.s32 s11, $0x5;
	v4 =	vor.u32 v4, v5;
	v5, _, _ =	vpop (xrf0)  }
.Ltmp1:
0x36: {  	v5 =	vxor.u32 $0x80000000, v5;
	(pc) =	sbr.rel @p0 .LBB2_2-.Ltmp1, $3  }
0x37: {  	v5 =	vsub.s32 v3, v5  }
0x38: {  	v5 =	vcvt.s32.f32 v5;
	_ =	sdelay $0x1  }
0x39: {  	[tilespmem:v4+s7+$0x0] =	vst.idx.add.f32.msk vm1, v5  }
0x3a: {  	s10 =	sadd.s32 $0x1, s10  }
0x3b: {  	p0 =	sne.s32 s10, s6  }
.Ltmp2:
0x3c: {  	_ = 	snop;
	(pc) =	sbr.rel @p0 .LBB2_1-.Ltmp2, $4  }
0x3d: {  	[hbm4b:s9+s4] =	stream.linear.scatter [tilespmem:s7], [sflag:$0x1], $0x14000, $0x38;
	[tilespmem:$0x14800] =	vst v63  }
0x3e: {  	_ =	swait.ge [sflag:s8], $0x14000  }
0x3f: {  	[sflag:s8] =	ssyncset.done $0x0  }
0x40: {  	[sflag:s8] =	ssyncadd.s32 $0xFFFEC000  }
0x41: {  	_ =	sfence.sel $0x180000  }
0x42: {  	[bflag:$0x0] =	sbarrier.arrive $0xFFFF  }
0x43: {  	p0 =	sne.s32 s3, $0x0;
	_ =	strace $0x90000047  }
0x44: {  	s0 =	sadd.s32 @!p0 $0x100000, s0;
	[bflag:$0x2] =	sbarrier.arrive $0xFFFF  }
0x45: {  	[sflag:s0] =	ssyncadd.tile.s32 @!p0 $0x1;
	_ =	shalt  }
.Lfunc_end2:
_tile_overlayer_lowered:
.L_overlay_start_2:
0x46: {  	(tag) =	ssettag $0x2  }
0x47: {  	s0 =	rddreg [dreg:$0x0];
	s2 =	stileid.u32  }
0x48: {  	s1 =	rddreg [dreg:$0x1];
	p0 =	sne.s32 s2, $0x0  }
0x49: {  	s3 =	rddreg [dreg:$0x2];
	[bflag:$0x3] =	sbarrier.arrive $0xFFFF;
	s2 =	simm.s32 @!p0 $0x1C01  }
0x4a: {  	[timem:s3], [sflag:s2] =	dma.local @!p0 [hbm:s0], s1  }
0x4b: {  	s0 =	simm.s32 @!p0 $0x1  }
0x4c: {  	_ =	swait.ge @!p0 [sflag:s0], s1  }
0x4d: {  	s1 =	ssub.s32 @!p0 $0x0, s1;
	[sflag:s0] =	ssyncset.done @!p0 $0x0  }
0x4e: {  	[sflag:s0] =	ssyncadd.s32 @!p0 s1  }
0x4f: {  	[bflag:$0x3] =	sbarrier.arrive $0xFFFF  }
0x50: {  	_ =	shalt  }

</sc_bundles>
